<compile_context>
chip_gen: v7x
topology: tpu7x:2x2x1
jax: 0.10.2.dev20260603
libtpu: 0.0.44.dev20260713+nightly
codegen_flags: <defaults>
</compile_context>

<pallas_src>
import functools

import jax
import jax.numpy as jnp
from jax import lax
from jax.experimental import pallas as pl
from jax.experimental.pallas import tpu as pltpu
from jax.experimental.pallas import tpu_sc as plsc

_H = 8
_C = 16
_ACC_W = 144


def _dyn_gather(v, idx):
  return lax.gather(
      v,
      idx[:, None],
      lax.GatherDimensionNumbers(
          offset_dims=(), collapsed_slice_dims=(0,), start_index_map=(0,)),
      (1,),
      mode=lax.GatherScatterMode.PROMISE_IN_BOUNDS)


def _prep(x, W, Mcat, blk):
  N, D = x.shape
  HC = W.shape[1]
  grid = N // blk

  def body(x_ref, w_ref, m_ref, xl_ref, an_ref):
    xl = jnp.dot(x_ref[...], w_ref[...], preferred_element_type=jnp.float32)
    xl_ref[...] = xl
    an_ref[...] = jnp.dot(xl, m_ref[...], preferred_element_type=jnp.float32)

  return pl.pallas_call(
      body,
      grid=(grid,),
      in_specs=[
          pl.BlockSpec((blk, D), lambda i: (i, 0)),
          pl.BlockSpec((D, HC), lambda i: (0, 0)),
          pl.BlockSpec((HC, 2 * _H), lambda i: (0, 0)),
      ],
      out_specs=[
          pl.BlockSpec((blk, HC), lambda i: (i, 0)),
          pl.BlockSpec((blk, 2 * _H), lambda i: (i, 0)),
      ],
      out_shape=[
          jax.ShapeDtypeStruct((N, HC), jnp.float32),
          jax.ShapeDtypeStruct((N, 2 * _H), jnp.float32),
      ],
  )(x, W, Mcat)


@functools.lru_cache(maxsize=None)
def _make_edge_kernel(N, NPAD, E, K):
  info = plsc.get_sparse_core_info()
  NC, NS = info.num_cores, info.num_subcores
  NW = NC * NS
  e_per_w = E // NW
  chunks = e_per_w // K
  pairs = chunks // 2
  rows_per_tile = NPAD // NS

  mesh = plsc.VectorSubcoreMesh(core_axis_name="c", subcore_axis_name="s")

  @functools.partial(
      pl.kernel,
      out_type=jax.ShapeDtypeStruct((NC, NPAD, _ACC_W), jnp.float32),
      mesh=mesh,
      compiler_params=pltpu.CompilerParams(use_tc_tiling_on_sc=False),
      scratch_types=[
          pltpu.VMEM_SHARED((NPAD, _ACC_W), jnp.float32),
          pltpu.VMEM((K,), jnp.int32), pltpu.VMEM((K,), jnp.int32),
          pltpu.VMEM((K,), jnp.int32), pltpu.VMEM((K,), jnp.int32),
          pltpu.VMEM((K,), jnp.int32), pltpu.VMEM((K,), jnp.int32),
          pltpu.VMEM((K, 16), jnp.float32), pltpu.VMEM((K, 16), jnp.float32),
          pltpu.VMEM((K, 16), jnp.float32), pltpu.VMEM((K, 16), jnp.float32),
          pltpu.VMEM((K, 128), jnp.float32), pltpu.VMEM((K, 128), jnp.float32),
          pltpu.VMEM((K, _ACC_W), jnp.float32),
          pltpu.VMEM((K, _ACC_W), jnp.float32),
          pltpu.SemaphoreType.DMA, pltpu.SemaphoreType.DMA,
          pltpu.SemaphoreType.DMA, pltpu.SemaphoreType.DMA,
          pltpu.SemaphoreType.DMA, pltpu.SemaphoreType.DMA,
          pltpu.SemaphoreType.DMA, pltpu.SemaphoreType.DMA,
      ],
  )
  def edge_kernel(src_hbm, dst_hbm, xl_hbm, an_hbm, out_hbm,
                  acc, si0, si1, di0, di1, dis0, dis1, as0, as1, ad0, ad1,
                  xr0, xr1, msg0, msg1, semi0, semi1, semg0, semg1,
                  sems0, sems1, semd0, semd1):
    cid = lax.axis_index("c")
    sid = lax.axis_index("s")
    wid = cid * NS + sid
    si_ = (si0, si1)
    di_ = (di0, di1)
    dis_ = (dis0, dis1)
    as_ = (as0, as1)
    ad_ = (ad0, ad1)
    xr_ = (xr0, xr1)
    msg_ = (msg0, msg1)
    semi_ = (semi0, semi1)
    semg_ = (semg0, semg1)
    sems_ = (sems0, sems1)
    semd_ = (semd0, semd1)

    zero16 = jnp.zeros((16,), jnp.float32)
    lane = lax.iota(jnp.int32, 16)
    perm_hi = jnp.minimum(lane + 8, 15)
    headmask = lane < 8

    def zbody(i, _):
      for j in range(_ACC_W // 16):
        msg0[i, pl.ds(j * 16, 16)] = zero16
        msg1[i, pl.ds(j * 16, 16)] = zero16
      return 0

    lax.fori_loop(0, K, zbody, 0)
    for r in range(rows_per_tile // K):
      pltpu.sync_copy(msg0, acc.at[pl.ds(sid * rows_per_tile + r * K, K)])
    plsc.subcore_barrier()

    ebase = wid * e_per_w

    def issue_idx(ci, s):
      off = ebase + jnp.minimum(ci, chunks - 1) * K
      pltpu.async_copy(src_hbm.at[pl.ds(off, K)], si_[s], semi_[s])
      pltpu.async_copy(dst_hbm.at[pl.ds(off, K)], di_[s], semi_[s])

    def wait_idx(s):
      pltpu.make_async_copy(src_hbm.at[pl.ds(0, K)], si_[s], semi_[s]).wait()
      pltpu.make_async_copy(dst_hbm.at[pl.ds(0, K)], di_[s], semi_[s]).wait()

    def issue_gather(s):
      pltpu.async_copy(xl_hbm.at[si_[s]], xr_[s], semg_[s])
      pltpu.async_copy(an_hbm.at[si_[s]], as_[s], semg_[s])
      pltpu.async_copy(an_hbm.at[di_[s]], ad_[s], semg_[s])

    def wait_gather(s):
      pltpu.make_async_copy(xl_hbm.at[si_[s]], xr_[s], semg_[s]).wait()
      pltpu.make_async_copy(an_hbm.at[si_[s]], as_[s], semg_[s]).wait()
      pltpu.make_async_copy(an_hbm.at[di_[s]], ad_[s], semg_[s]).wait()

    def issue_scatter(s):
      pltpu.async_copy(msg_[s], acc.at[dis_[s]], sems_[s], add=True)

    def wait_scatter(s):
      pltpu.make_async_copy(msg_[s], acc.at[dis_[s]], sems_[s]).wait()

    def issue_dis(ci, s):
      off = ebase + jnp.minimum(ci, chunks - 1) * K
      pltpu.async_copy(dst_hbm.at[pl.ds(off, K)], dis_[s], semd_[s])

    def wait_dis(s):
      pltpu.make_async_copy(dst_hbm.at[pl.ds(0, K)], dis_[s], semd_[s]).wait()

    def compute(s):
      def ebody(i, _):
        as_row = as_[s][i, :]
        ad_row = ad_[s][i, :]
        alpha = as_row + _dyn_gather(ad_row, perm_hi)
        alpha = jnp.where(alpha >= 0.0, alpha, 0.2 * alpha)
        ea = jnp.exp(alpha)
        msg_[s][i, pl.ds(128, 16)] = jnp.where(headmask, ea, 0.0)
        for h in range(_H):
          sc = _dyn_gather(ea, jnp.full((16,), h, jnp.int32))
          msg_[s][i, pl.ds(h * 16, 16)] = sc * xr_[s][i, pl.ds(h * 16, 16)]
        return 0

      lax.fori_loop(0, K, ebody, 0)

    issue_idx(0, 0)
    wait_idx(0)
    issue_gather(0)
    issue_idx(1, 1)

    def body(p, _):
      c0 = 2 * p
      wait_gather(0)
      wait_idx(1)
      issue_gather(1)

      @pl.when(p > 0)
      def _():
        wait_scatter(0)

      issue_dis(c0, 0)
      compute(0)
      wait_dis(0)
      issue_scatter(0)
      issue_idx(c0 + 2, 0)
      wait_gather(1)
      wait_idx(0)
      issue_gather(0)

      @pl.when(p > 0)
      def _():
        wait_scatter(1)

      issue_dis(c0 + 1, 1)
      compute(1)
      wait_dis(1)
      issue_scatter(1)
      issue_idx(c0 + 3, 1)
      return 0

    lax.fori_loop(0, pairs, body, 0)

    if chunks % 2 == 1:
      wait_gather(0)
      wait_scatter(0)
      issue_dis(chunks - 1, 0)
      compute(0)
      wait_dis(0)
      issue_scatter(0)
      wait_idx(1)
    else:
      wait_gather(0)
      wait_idx(1)
    wait_scatter(0)
    wait_scatter(1)
    plsc.subcore_barrier()
    pltpu.sync_copy(
        acc.at[pl.ds(sid * rows_per_tile, rows_per_tile)],
        out_hbm.at[cid, pl.ds(sid * rows_per_tile, rows_per_tile)])

  return edge_kernel


def _final(acc0, acc1, xl, anode, bias2d, blk):
  N, HC = xl.shape
  grid = N // blk

  def body(a0_ref, a1_ref, xl_ref, an_ref, b_ref, out_ref):
    a0 = a0_ref[...]
    a1 = a1_ref[...]
    an = an_ref[...]
    xl_v = xl_ref[...]
    al = an[:, :_H] + an[:, _H:]
    al = jnp.where(al >= 0.0, al, 0.2 * al)
    el = jnp.exp(al)
    parts = []
    for h in range(_H):
      lo, hi = h * _C, (h + 1) * _C
      nh = a0[:, lo:hi] + a1[:, lo:hi] + el[:, h:h + 1] * xl_v[:, lo:hi]
      dh = (a0[:, 128 + h:129 + h] + a1[:, 128 + h:129 + h]
            + el[:, h:h + 1] + 1e-16)
      parts.append(nh / dh)
    o = jnp.concatenate(parts, axis=1) + b_ref[...]
    out_ref[...] = jnp.maximum(o, 0.0)

  return pl.pallas_call(
      body,
      grid=(grid,),
      in_specs=[
          pl.BlockSpec((blk, _ACC_W), lambda i: (i, 0)),
          pl.BlockSpec((blk, _ACC_W), lambda i: (i, 0)),
          pl.BlockSpec((blk, HC), lambda i: (i, 0)),
          pl.BlockSpec((blk, 2 * _H), lambda i: (i, 0)),
          pl.BlockSpec((1, HC), lambda i: (0, 0)),
      ],
      out_specs=pl.BlockSpec((blk, HC), lambda i: (i, 0)),
      out_shape=jax.ShapeDtypeStruct((N, HC), jnp.float32),
  )(acc0, acc1, xl, anode, bias2d)


def kernel(x, edge_index, W, att_src, att_dst, bias):
  N, D = x.shape
  E = edge_index.shape[1]
  HC = W.shape[1]
  NPAD = 10240
  K = 40
  blk = 1000

  eye = jnp.eye(_H, dtype=jnp.float32)[:, None, :]
  m_src = (eye * att_src[:, :, None]).reshape(HC, _H)
  m_dst = (eye * att_dst[:, :, None]).reshape(HC, _H)
  mcat = jnp.concatenate([m_src, m_dst], axis=1)

  xl, anode = _prep(x, W, mcat, blk)
  accs = _make_edge_kernel(N, NPAD, E, K)(
      edge_index[0], edge_index[1], xl, anode)
  out = _final(accs[0, :N], accs[1, :N], xl, anode,
               bias.reshape(1, HC), blk)
  return out

# --- scband reference (transcript-rebuilt; emitter-appended) ---
"""Pipeline reference for scband-gatconv-42417097016495 (READ-ONLY COPY).

The authoritative reference and input builder live on the scoring server;
editing this copy changes nothing except your own understanding.
"""

import jax, jax.numpy as jnp
import numpy as np

H = 8
C = 16

def setup_inputs(seed: int = 0) -> dict:
    key = jax.random.key(seed)
    k1, k2, k3, k4, k5 = jax.random.split(key, 5)
    N, E, D = 10000, 320000, 128
    x = jax.random.normal(k1, (N, D), dtype=jnp.float32)
    edge_index = jax.random.randint(k2, (2, E), 0, N, dtype=jnp.int32)
    W = jax.random.normal(k3, (D, H * C), dtype=jnp.float32) * (1.0 / np.sqrt(D))
    att_src = jax.random.normal(k4, (H, C), dtype=jnp.float32) * 0.1
    att_dst = jax.random.normal(k5, (H, C), dtype=jnp.float32) * 0.1
    bias = jnp.zeros((H * C,), dtype=jnp.float32)
    return {"x": x, "edge_index": edge_index, "W": W, "att_src": att_src, "att_dst": att_dst, "bias": bias}

def reference(x, edge_index, W, att_src, att_dst, bias):
    N = x.shape[0]
    # PyG GATConv adds self-loops by default
    loops = jnp.arange(N, dtype=edge_index.dtype)
    src = jnp.concatenate([edge_index[0], loops])
    dst = jnp.concatenate([edge_index[1], loops])
    # linear projection to [N, H, C]
    xl = (x @ W).reshape(N, H, C)
    # per-node attention logits
    a_src = jnp.sum(xl * att_src[None, :, :], axis=-1)  # [N, H]
    a_dst = jnp.sum(xl * att_dst[None, :, :], axis=-1)  # [N, H]
    # per-edge attention: gather + leaky relu
    alpha = a_src[src] + a_dst[dst]                      # [E+N, H]
    alpha = jax.nn.leaky_relu(alpha, negative_slope=0.2)
    # softmax over incoming edges of each dst node (per head)
    amax = jax.ops.segment_max(alpha, dst, num_segments=N)
    amax = jax.lax.stop_gradient(amax)
    ealpha = jnp.exp(alpha - amax[dst])
    denom = jax.ops.segment_sum(ealpha, dst, num_segments=N)
    alpha_n = ealpha / (denom[dst] + 1e-16)
    # weighted message aggregation (scatter-add)
    msg = xl[src] * alpha_n[:, :, None]                  # [E+N, H, C]
    out = jax.ops.segment_sum(msg, dst, num_segments=N)  # [N, H, C]
    out = out.reshape(N, H * C) + bias
    # module's unlinear = ReLU (act='relu', norm=None)
    return jax.nn.relu(out)

if __name__ == "__main__":
    import jax
    _d = setup_inputs()
    print(jax.jit(kernel)(*tuple(_d.values())))

</pallas_src>

<mosaic_0001>
#map = affine_map<(d0, d1) -> (0)>
#map1 = affine_map<(d0, d1) -> (0, 0)>
#map2 = affine_map<(d0, d1) -> (0, 0, 0)>
module attributes {stable_mosaic.version = 14 : i64} {
  func.func @edge_kernel(%arg0: i32, %arg1: i32, %arg2: memref<320000xi32, #tpu.memory_space<hbm>>, %arg3: memref<320000xi32, #tpu.memory_space<hbm>>, %arg4: memref<10000x128xf32, #tpu.memory_space<hbm>>, %arg5: memref<10000x16xf32, #tpu.memory_space<hbm>>, %arg6: memref<2x10240x144xf32, #tpu.memory_space<hbm>>, %arg7: memref<10240x144xf32, #tpu.memory_space<vmem_shared>>, %arg8: memref<40xi32, #tpu.memory_space<vmem>>, %arg9: memref<40xi32, #tpu.memory_space<vmem>>, %arg10: memref<40xi32, #tpu.memory_space<vmem>>, %arg11: memref<40xi32, #tpu.memory_space<vmem>>, %arg12: memref<40xi32, #tpu.memory_space<vmem>>, %arg13: memref<40xi32, #tpu.memory_space<vmem>>, %arg14: memref<40x16xf32, #tpu.memory_space<vmem>>, %arg15: memref<40x16xf32, #tpu.memory_space<vmem>>, %arg16: memref<40x16xf32, #tpu.memory_space<vmem>>, %arg17: memref<40x16xf32, #tpu.memory_space<vmem>>, %arg18: memref<40x128xf32, #tpu.memory_space<vmem>>, %arg19: memref<40x128xf32, #tpu.memory_space<vmem>>, %arg20: memref<40x144xf32, #tpu.memory_space<vmem>>, %arg21: memref<40x144xf32, #tpu.memory_space<vmem>>, %arg22: memref<!tpu.dma_semaphore, #tpu.memory_space<semaphore_mem>>, %arg23: memref<!tpu.dma_semaphore, #tpu.memory_space<semaphore_mem>>, %arg24: memref<!tpu.dma_semaphore, #tpu.memory_space<semaphore_mem>>, %arg25: memref<!tpu.dma_semaphore, #tpu.memory_space<semaphore_mem>>, %arg26: memref<!tpu.dma_semaphore, #tpu.memory_space<semaphore_mem>>, %arg27: memref<!tpu.dma_semaphore, #tpu.memory_space<semaphore_mem>>, %arg28: memref<!tpu.dma_semaphore, #tpu.memory_space<semaphore_mem>>, %arg29: memref<!tpu.dma_semaphore, #tpu.memory_space<semaphore_mem>>) attributes {dimension_semantics = [#tpu.dimension_semantics<core_parallel>, #tpu.dimension_semantics<subcore_parallel>], iteration_bounds = array<i64: 2, 16>, scalar_prefetch = 0 : i64, scratch_operands = 23 : i64, tpu.core_type = #tpu.core_type<sc_vector_subcore>, window_params = [{transform_indices = #map}, {transform_indices = #map}, {transform_indices = #map1}, {transform_indices = #map1}, {transform_indices = #map2}]} {
    %mul3A = arith.constant 16 : i32
    %mul3A_0 = arith.muli %arg0, %mul3A : i32
    %add3A = arith.addi %mul3A_0, %arg1 : i32
    %broadcast_in_dim3A = arith.constant 0.000000e+00 : f32
    %broadcast_in_dim3A_1 = vector.broadcast %broadcast_in_dim3A : f32 to vector<16xf32>
    %iota3A = tpu.iota {dimensions = array<i32: 0>} : vector<16xi32>
    %add3A_2 = arith.constant 8 : i32
    %add3A_3 = vector.broadcast %add3A_2 : i32 to vector<16xi32>
    %add3A_4 = arith.addi %iota3A, %add3A_3 : vector<16xi32>
    %min3A = arith.constant 15 : i32
    %min3A_5 = vector.broadcast %min3A : i32 to vector<16xi32>
    %min3A_6 = arith.minsi %add3A_4, %min3A_5 : vector<16xi32>
    %lt3A = arith.constant 8 : i32
    %lt3A_7 = vector.broadcast %lt3A : i32 to vector<16xi32>
    %lt3A_8 = arith.cmpi slt, %iota3A, %lt3A_7 : vector<16xi32>
    %scan3A = arith.constant 0 : i32
    %scan3A_9 = arith.constant 0 : i32
    %scan3A_10 = arith.constant 40 : i32
    %scan3A_11 = arith.addi %scan3A_9, %scan3A_10 : i32
    %scan3A_12 = arith.constant 1 : i32
    %scan3A_13 = scf.for %scan3A_151 = %scan3A_9 to %scan3A_11 step %scan3A_12 iter_args(%scan3A_152 = %scan3A) -> (i32)  : i32 {
      %swap3A = arith.index_cast %scan3A_151 : i32 to index
      %swap3A_153 = arith.constant 0 : index
      %swap3A_154 = tpu.vector_load %arg20[%swap3A, %swap3A_153] {strides = array<i32>} : memref<40x144xf32, #tpu.memory_space<vmem>>, vector<1x16xf32>,
      %swap3A_155 = vector.shape_cast %swap3A_154 : vector<1x16xf32> to vector<16xf32>
      %swap3A_156 = vector.shape_cast %broadcast_in_dim3A_1 : vector<16xf32> to vector<1x16xf32>
      tpu.vector_store %arg20[%swap3A, %swap3A_153], %swap3A_156 {strides = array<i32>} : memref<40x144xf32, #tpu.memory_space<vmem>>, vector<1x16xf32>,
      %swap3A_157 = arith.index_cast %scan3A_151 : i32 to index
      %swap3A_158 = arith.constant 0 : index
      %swap3A_159 = tpu.vector_load %arg21[%swap3A_157, %swap3A_158] {strides = array<i32>} : memref<40x144xf32, #tpu.memory_space<vmem>>, vector<1x16xf32>,
      %swap3A_160 = vector.shape_cast %swap3A_159 : vector<1x16xf32> to vector<16xf32>
      %swap3A_161 = vector.shape_cast %broadcast_in_dim3A_1 : vector<16xf32> to vector<1x16xf32>
      tpu.vector_store %arg21[%swap3A_157, %swap3A_158], %swap3A_161 {strides = array<i32>} : memref<40x144xf32, #tpu.memory_space<vmem>>, vector<1x16xf32>,
      %swap3A_162 = arith.index_cast %scan3A_151 : i32 to index
      %swap3A_163 = arith.constant 16 : index
      %swap3A_164 = tpu.vector_load %arg20[%swap3A_162, %swap3A_163] {strides = array<i32>} : memref<40x144xf32, #tpu.memory_space<vmem>>, vector<1x16xf32>,
      %swap3A_165 = vector.shape_cast %swap3A_164 : vector<1x16xf32> to vector<16xf32>
      %swap3A_166 = vector.shape_cast %broadcast_in_dim3A_1 : vector<16xf32> to vector<1x16xf32>
      tpu.vector_store %arg20[%swap3A_162, %swap3A_163], %swap3A_166 {strides = array<i32>} : memref<40x144xf32, #tpu.memory_space<vmem>>, vector<1x16xf32>,
      %swap3A_167 = arith.index_cast %scan3A_151 : i32 to index
      %swap3A_168 = arith.constant 16 : index
      %swap3A_169 = tpu.vector_load %arg21[%swap3A_167, %swap3A_168] {strides = array<i32>} : memref<40x144xf32, #tpu.memory_space<vmem>>, vector<1x16xf32>,
      %swap3A_170 = vector.shape_cast %swap3A_169 : vector<1x16xf32> to vector<16xf32>
      %swap3A_171 = vector.shape_cast %broadcast_in_dim3A_1 : vector<16xf32> to vector<1x16xf32>
      tpu.vector_store %arg21[%swap3A_167, %swap3A_168], %swap3A_171 {strides = array<i32>} : memref<40x144xf32, #tpu.memory_space<vmem>>, vector<1x16xf32>,
      %swap3A_172 = arith.index_cast %scan3A_151 : i32 to index
      %swap3A_173 = arith.constant 32 : index
      %swap3A_174 = tpu.vector_load %arg20[%swap3A_172, %swap3A_173] {strides = array<i32>} : memref<40x144xf32, #tpu.memory_space<vmem>>, vector<1x16xf32>,
      %swap3A_175 = vector.shape_cast %swap3A_174 : vector<1x16xf32> to vector<16xf32>
      %swap3A_176 = vector.shape_cast %broadcast_in_dim3A_1 : vector<16xf32> to vector<1x16xf32>
      tpu.vector_store %arg20[%swap3A_172, %swap3A_173], %swap3A_176 {strides = array<i32>} : memref<40x144xf32, #tpu.memory_space<vmem>>, vector<1x16xf32>,
      %swap3A_177 = arith.index_cast %scan3A_151 : i32 to index
      %swap3A_178 = arith.constant 32 : index
      %swap3A_179 = tpu.vector_load %arg21[%swap3A_177, %swap3A_178] {strides = array<i32>} : memref<40x144xf32, #tpu.memory_space<vmem>>, vector<1x16xf32>,
      %swap3A_180 = vector.shape_cast %swap3A_179 : vector<1x16xf32> to vector<16xf32>
      %swap3A_181 = vector.shape_cast %broadcast_in_dim3A_1 : vector<16xf32> to vector<1x16xf32>
      tpu.vector_store %arg21[%swap3A_177, %swap3A_178], %swap3A_181 {strides = array<i32>} : memref<40x144xf32, #tpu.memory_space<vmem>>, vector<1x16xf32>,
      %swap3A_182 = arith.index_cast %scan3A_151 : i32 to index
      %swap3A_183 = arith.constant 48 : index
      %swap3A_184 = tpu.vector_load %arg20[%swap3A_182, %swap3A_183] {strides = array<i32>} : memref<40x144xf32, #tpu.memory_space<vmem>>, vector<1x16xf32>,
      %swap3A_185 = vector.shape_cast %swap3A_184 : vector<1x16xf32> to vector<16xf32>
      %swap3A_186 = vector.shape_cast %broadcast_in_dim3A_1 : vector<16xf32> to vector<1x16xf32>
      tpu.vector_store %arg20[%swap3A_182, %swap3A_183], %swap3A_186 {strides = array<i32>} : memref<40x144xf32, #tpu.memory_space<vmem>>, vector<1x16xf32>,
      %swap3A_187 = arith.index_cast %scan3A_151 : i32 to index
      %swap3A_188 = arith.constant 48 : index
      %swap3A_189 = tpu.vector_load %arg21[%swap3A_187, %swap3A_188] {strides = array<i32>} : memref<40x144xf32, #tpu.memory_space<vmem>>, vector<1x16xf32>,
      %swap3A_190 = vector.shape_cast %swap3A_189 : vector<1x16xf32> to vector<16xf32>
      %swap3A_191 = vector.shape_cast %broadcast_in_dim3A_1 : vector<16xf32> to vector<1x16xf32>
      tpu.vector_store %arg21[%swap3A_187, %swap3A_188], %swap3A_191 {strides = array<i32>} : memref<40x144xf32, #tpu.memory_space<vmem>>, vector<1x16xf32>,
      %swap3A_192 = arith.index_cast %scan3A_151 : i32 to index
      %swap3A_193 = arith.constant 64 : index
      %swap3A_194 = tpu.vector_load %arg20[%swap3A_192, %swap3A_193] {strides = array<i32>} : memref<40x144xf32, #tpu.memory_space<vmem>>, vector<1x16xf32>,
      %swap3A_195 = vector.shape_cast %swap3A_194 : vector<1x16xf32> to vector<16xf32>
      %swap3A_196 = vector.shape_cast %broadcast_in_dim3A_1 : vector<16xf32> to vector<1x16xf32>
      tpu.vector_store %arg20[%swap3A_192, %swap3A_193], %swap3A_196 {strides = array<i32>} : memref<40x144xf32, #tpu.memory_space<vmem>>, vector<1x16xf32>,
      %swap3A_197 = arith.index_cast %scan3A_151 : i32 to index
      %swap3A_198 = arith.constant 64 : index
      %swap3A_199 = tpu.vector_load %arg21[%swap3A_197, %swap3A_198] {strides = array<i32>} : memref<40x144xf32, #tpu.memory_space<vmem>>, vector<1x16xf32>,
      %swap3A_200 = vector.shape_cast %swap3A_199 : vector<1x16xf32> to vector<16xf32>
      %swap3A_201 = vector.shape_cast %broadcast_in_dim3A_1 : vector<16xf32> to vector<1x16xf32>
      tpu.vector_store %arg21[%swap3A_197, %swap3A_198], %swap3A_201 {strides = array<i32>} : memref<40x144xf32, #tpu.memory_space<vmem>>, vector<1x16xf32>,
      %swap3A_202 = arith.index_cast %scan3A_151 : i32 to index
      %swap3A_203 = arith.constant 80 : index
      %swap3A_204 = tpu.vector_load %arg20[%swap3A_202, %swap3A_203] {strides = array<i32>} : memref<40x144xf32, #tpu.memory_space<vmem>>, vector<1x16xf32>,
      %swap3A_205 = vector.shape_cast %swap3A_204 : vector<1x16xf32> to vector<16xf32>
      %swap3A_206 = vector.shape_cast %broadcast_in_dim3A_1 : vector<16xf32> to vector<1x16xf32>
      tpu.vector_store %arg20[%swap3A_202, %swap3A_203], %swap3A_206 {strides = array<i32>} : memref<40x144xf32, #tpu.memory_space<vmem>>, vector<1x16xf32>,
      %swap3A_207 = arith.index_cast %scan3A_151 : i32 to index
      %swap3A_208 = arith.constant 80 : index
      %swap3A_209 = tpu.vector_load %arg21[%swap3A_207, %swap3A_208] {strides = array<i32>} : memref<40x144xf32, #tpu.memory_space<vmem>>, vector<1x16xf32>,
      %swap3A_210 = vector.shape_cast %swap3A_209 : vector<1x16xf32> to vector<16xf32>
      %swap3A_211 = vector.shape_cast %broadcast_in_dim3A_1 : vector<16xf32> to vector<1x16xf32>
      tpu.vector_store %arg21[%swap3A_207, %swap3A_208], %swap3A_211 {strides = array<i32>} : memref<40x144xf32, #tpu.memory_space<vmem>>, vector<1x16xf32>,
      %swap3A_212 = arith.index_cast %scan3A_151 : i32 to index
      %swap3A_213 = arith.constant 96 : index
      %swap3A_214 = tpu.vector_load %arg20[%swap3A_212, %swap3A_213] {strides = array<i32>} : memref<40x144xf32, #tpu.memory_space<vmem>>, vector<1x16xf32>,
      %swap3A_215 = vector.shape_cast %swap3A_214 : vector<1x16xf32> to vector<16xf32>
      %swap3A_216 = vector.shape_cast %broadcast_in_dim3A_1 : vector<16xf32> to vector<1x16xf32>
      tpu.vector_store %arg20[%swap3A_212, %swap3A_213], %swap3A_216 {strides = array<i32>} : memref<40x144xf32, #tpu.memory_space<vmem>>, vector<1x16xf32>,
      %swap3A_217 = arith.index_cast %scan3A_151 : i32 to index
      %swap3A_218 = arith.constant 96 : index
      %swap3A_219 = tpu.vector_load %arg21[%swap3A_217, %swap3A_218] {strides = array<i32>} : memref<40x144xf32, #tpu.memory_space<vmem>>, vector<1x16xf32>,
      %swap3A_220 = vector.shape_cast %swap3A_219 : vector<1x16xf32> to vector<16xf32>
      %swap3A_221 = vector.shape_cast %broadcast_in_dim3A_1 : vector<16xf32> to vector<1x16xf32>
      tpu.vector_store %arg21[%swap3A_217, %swap3A_218], %swap3A_221 {strides = array<i32>} : memref<40x144xf32, #tpu.memory_space<vmem>>, vector<1x16xf32>,
      %swap3A_222 = arith.index_cast %scan3A_151 : i32 to index
      %swap3A_223 = arith.constant 112 : index
      %swap3A_224 = tpu.vector_load %arg20[%swap3A_222, %swap3A_223] {strides = array<i32>} : memref<40x144xf32, #tpu.memory_space<vmem>>, vector<1x16xf32>,
      %swap3A_225 = vector.shape_cast %swap3A_224 : vector<1x16xf32> to vector<16xf32>
      %swap3A_226 = vector.shape_cast %broadcast_in_dim3A_1 : vector<16xf32> to vector<1x16xf32>
      tpu.vector_store %arg20[%swap3A_222, %swap3A_223], %swap3A_226 {strides = array<i32>} : memref<40x144xf32, #tpu.memory_space<vmem>>, vector<1x16xf32>,
      %swap3A_227 = arith.index_cast %scan3A_151 : i32 to index
      %swap3A_228 = arith.constant 112 : index
      %swap3A_229 = tpu.vector_load %arg21[%swap3A_227, %swap3A_228] {strides = array<i32>} : memref<40x144xf32, #tpu.memory_space<vmem>>, vector<1x16xf32>,
      %swap3A_230 = vector.shape_cast %swap3A_229 : vector<1x16xf32> to vector<16xf32>
      %swap3A_231 = vector.shape_cast %broadcast_in_dim3A_1 : vector<16xf32> to vector<1x16xf32>
      tpu.vector_store %arg21[%swap3A_227, %swap3A_228], %swap3A_231 {strides = array<i32>} : memref<40x144xf32, #tpu.memory_space<vmem>>, vector<1x16xf32>,
      %swap3A_232 = arith.index_cast %scan3A_151 : i32 to index
      %swap3A_233 = arith.constant 128 : index
      %swap3A_234 = tpu.vector_load %arg20[%swap3A_232, %swap3A_233] {strides = array<i32>} : memref<40x144xf32, #tpu.memory_space<vmem>>, vector<1x16xf32>,
      %swap3A_235 = vector.shape_cast %swap3A_234 : vector<1x16xf32> to vector<16xf32>
      %swap3A_236 = vector.shape_cast %broadcast_in_dim3A_1 : vector<16xf32> to vector<1x16xf32>
      tpu.vector_store %arg20[%swap3A_232, %swap3A_233], %swap3A_236 {strides = array<i32>} : memref<40x144xf32, #tpu.memory_space<vmem>>, vector<1x16xf32>,
      %swap3A_237 = arith.index_cast %scan3A_151 : i32 to index
      %swap3A_238 = arith.constant 128 : index
      %swap3A_239 = tpu.vector_load %arg21[%swap3A_237, %swap3A_238] {strides = array<i32>} : memref<40x144xf32, #tpu.memory_space<vmem>>, vector<1x16xf32>,
      %swap3A_240 = vector.shape_cast %swap3A_239 : vector<1x16xf32> to vector<16xf32>
      %swap3A_241 = vector.shape_cast %broadcast_in_dim3A_1 : vector<16xf32> to vector<1x16xf32>
      tpu.vector_store %arg21[%swap3A_237, %swap3A_238], %swap3A_241 {strides = array<i32>} : memref<40x144xf32, #tpu.memory_space<vmem>>, vector<1x16xf32>,
      %scan3A_242 = arith.constant 0 : i32
      scf.yield %scan3A_242 : i32
    }
    %scan3A_14 = arith.constant 40 : i32
    %mul3A_15 = arith.constant 640 : i32
    %mul3A_16 = arith.muli %arg1, %mul3A_15 : i32
    %add3A_17 = arith.constant 0 : i32
    %add3A_18 = arith.addi %mul3A_16, %add3A_17 : i32
    "tpu.region"() ({
      %run_scoped3A = tpu.sem_alloc : memref<!tpu.dma_semaphore, #tpu.memory_space<semaphore_mem>>
      %dma_start3A_151 = arith.constant 0 : i32
      %dma_start3A_152 = tpu.memref_slice %arg7[%add3A_18, %dma_start3A_151] : memref<10240x144xf32, #tpu.memory_space<vmem_shared>> -> memref<40x144xf32, #tpu.memory_space<vmem_shared>>
      %dma_start3A_153 = arith.constant 0 : i32
      %dma_start3A_154 = tpu.memref_slice %arg7[%add3A_18, %dma_start3A_153] : memref<10240x144xf32, #tpu.memory_space<vmem_shared>> -> memref<40x144xf32, #tpu.memory_space<vmem_shared>>
      tpu.enqueue_dma source(%arg20 : memref<40x144xf32, #tpu.memory_space<vmem>>) target(%dma_start3A_154 : memref<40x144xf32, #tpu.memory_space<vmem_shared>>) target_semaphore(%run_scoped3A : memref<!tpu.dma_semaphore, #tpu.memory_space<semaphore_mem>>)
      %dma_wait3A_155 = arith.constant 0 : i32
      %dma_wait3A_156 = tpu.memref_slice %arg7[%add3A_18, %dma_wait3A_155] : memref<10240x144xf32, #tpu.memory_space<vmem_shared>> -> memref<40x144xf32, #tpu.memory_space<vmem_shared>>
      %dma_wait3A_157 = arith.constant 0 : i32
      %dma_wait3A_158 = tpu.memref_slice %arg7[%add3A_18, %dma_wait3A_157] : memref<10240x144xf32, #tpu.memory_space<vmem_shared>> -> memref<40x144xf32, #tpu.memory_space<vmem_shared>>
      tpu.wait_dma2 semaphore(%run_scoped3A : memref<!tpu.dma_semaphore, #tpu.memory_space<semaphore_mem>>) src(%arg20 : memref<40x144xf32, #tpu.memory_space<vmem>>) dst(%dma_wait3A_158 : memref<40x144xf32, #tpu.memory_space<vmem_shared>>)
      tpu.yield
    }) : () -> ()
    %mul3A_19 = arith.constant 640 : i32
    %mul3A_20 = arith.muli %arg1, %mul3A_19 : i32
    %add3A_21 = arith.constant 40 : i32
    %add3A_22 = arith.addi %mul3A_20, %add3A_21 : i32
    "tpu.region"() ({
      %run_scoped3A = tpu.sem_alloc : memref<!tpu.dma_semaphore, #tpu.memory_space<semaphore_mem>>
      %dma_start3A_151 = arith.constant 0 : i32
      %dma_start3A_152 = tpu.memref_slice %arg7[%add3A_22, %dma_start3A_151] : memref<10240x144xf32, #tpu.memory_space<vmem_shared>> -> memref<40x144xf32, #tpu.memory_space<vmem_shared>>
      %dma_start3A_153 = arith.constant 0 : i32
      %dma_start3A_154 = tpu.memref_slice %arg7[%add3A_22, %dma_start3A_153] : memref<10240x144xf32, #tpu.memory_space<vmem_shared>> -> memref<40x144xf32, #tpu.memory_space<vmem_shared>>
      tpu.enqueue_dma source(%arg20 : memref<40x144xf32, #tpu.memory_space<vmem>>) target(%dma_start3A_154 : memref<40x144xf32, #tpu.memory_space<vmem_shared>>) target_semaphore(%run_scoped3A : memref<!tpu.dma_semaphore, #tpu.memory_space<semaphore_mem>>)
      %dma_wait3A_155 = arith.constant 0 : i32
      %dma_wait3A_156 = tpu.memref_slice %arg7[%add3A_22, %dma_wait3A_155] : memref<10240x144xf32, #tpu.memory_space<vmem_shared>> -> memref<40x144xf32, #tpu.memory_space<vmem_shared>>
      %dma_wait3A_157 = arith.constant 0 : i32
      %dma_wait3A_158 = tpu.memref_slice %arg7[%add3A_22, %dma_wait3A_157] : memref<10240x144xf32, #tpu.memory_space<vmem_shared>> -> memref<40x144xf32, #tpu.memory_space<vmem_shared>>
      tpu.wait_dma2 semaphore(%run_scoped3A : memref<!tpu.dma_semaphore, #tpu.memory_space<semaphore_mem>>) src(%arg20 : memref<40x144xf32, #tpu.memory_space<vmem>>) dst(%dma_wait3A_158 : memref<40x144xf32, #tpu.memory_space<vmem_shared>>)
      tpu.yield
    }) : () -> ()
    %mul3A_23 = arith.constant 640 : i32
    %mul3A_24 = arith.muli %arg1, %mul3A_23 : i32
    %add3A_25 = arith.constant 80 : i32
    %add3A_26 = arith.addi %mul3A_24, %add3A_25 : i32
    "tpu.region"() ({
      %run_scoped3A = tpu.sem_alloc : memref<!tpu.dma_semaphore, #tpu.memory_space<semaphore_mem>>
      %dma_start3A_151 = arith.constant 0 : i32
      %dma_start3A_152 = tpu.memref_slice %arg7[%add3A_26, %dma_start3A_151] : memref<10240x144xf32, #tpu.memory_space<vmem_shared>> -> memref<40x144xf32, #tpu.memory_space<vmem_shared>>
      %dma_start3A_153 = arith.constant 0 : i32
      %dma_start3A_154 = tpu.memref_slice %arg7[%add3A_26, %dma_start3A_153] : memref<10240x144xf32, #tpu.memory_space<vmem_shared>> -> memref<40x144xf32, #tpu.memory_space<vmem_shared>>
      tpu.enqueue_dma source(%arg20 : memref<40x144xf32, #tpu.memory_space<vmem>>) target(%dma_start3A_154 : memref<40x144xf32, #tpu.memory_space<vmem_shared>>) target_semaphore(%run_scoped3A : memref<!tpu.dma_semaphore, #tpu.memory_space<semaphore_mem>>)
      %dma_wait3A_155 = arith.constant 0 : i32
      %dma_wait3A_156 = tpu.memref_slice %arg7[%add3A_26, %dma_wait3A_155] : memref<10240x144xf32, #tpu.memory_space<vmem_shared>> -> memref<40x144xf32, #tpu.memory_space<vmem_shared>>
      %dma_wait3A_157 = arith.constant 0 : i32
      %dma_wait3A_158 = tpu.memref_slice %arg7[%add3A_26, %dma_wait3A_157] : memref<10240x144xf32, #tpu.memory_space<vmem_shared>> -> memref<40x144xf32, #tpu.memory_space<vmem_shared>>
      tpu.wait_dma2 semaphore(%run_scoped3A : memref<!tpu.dma_semaphore, #tpu.memory_space<semaphore_mem>>) src(%arg20 : memref<40x144xf32, #tpu.memory_space<vmem>>) dst(%dma_wait3A_158 : memref<40x144xf32, #tpu.memory_space<vmem_shared>>)
      tpu.yield
    }) : () -> ()
    %mul3A_27 = arith.constant 640 : i32
    %mul3A_28 = arith.muli %arg1, %mul3A_27 : i32
    %add3A_29 = arith.constant 120 : i32
    %add3A_30 = arith.addi %mul3A_28, %add3A_29 : i32
    "tpu.region"() ({
      %run_scoped3A = tpu.sem_alloc : memref<!tpu.dma_semaphore, #tpu.memory_space<semaphore_mem>>
      %dma_start3A_151 = arith.constant 0 : i32
      %dma_start3A_152 = tpu.memref_slice %arg7[%add3A_30, %dma_start3A_151] : memref<10240x144xf32, #tpu.memory_space<vmem_shared>> -> memref<40x144xf32, #tpu.memory_space<vmem_shared>>
      %dma_start3A_153 = arith.constant 0 : i32
      %dma_start3A_154 = tpu.memref_slice %arg7[%add3A_30, %dma_start3A_153] : memref<10240x144xf32, #tpu.memory_space<vmem_shared>> -> memref<40x144xf32, #tpu.memory_space<vmem_shared>>
      tpu.enqueue_dma source(%arg20 : memref<40x144xf32, #tpu.memory_space<vmem>>) target(%dma_start3A_154 : memref<40x144xf32, #tpu.memory_space<vmem_shared>>) target_semaphore(%run_scoped3A : memref<!tpu.dma_semaphore, #tpu.memory_space<semaphore_mem>>)
      %dma_wait3A_155 = arith.constant 0 : i32
      %dma_wait3A_156 = tpu.memref_slice %arg7[%add3A_30, %dma_wait3A_155] : memref<10240x144xf32, #tpu.memory_space<vmem_shared>> -> memref<40x144xf32, #tpu.memory_space<vmem_shared>>
      %dma_wait3A_157 = arith.constant 0 : i32
      %dma_wait3A_158 = tpu.memref_slice %arg7[%add3A_30, %dma_wait3A_157] : memref<10240x144xf32, #tpu.memory_space<vmem_shared>> -> memref<40x144xf32, #tpu.memory_space<vmem_shared>>
      tpu.wait_dma2 semaphore(%run_scoped3A : memref<!tpu.dma_semaphore, #tpu.memory_space<semaphore_mem>>) src(%arg20 : memref<40x144xf32, #tpu.memory_space<vmem>>) dst(%dma_wait3A_158 : memref<40x144xf32, #tpu.memory_space<vmem_shared>>)
      tpu.yield
    }) : () -> ()
    %mul3A_31 = arith.constant 640 : i32
    %mul3A_32 = arith.muli %arg1, %mul3A_31 : i32
    %add3A_33 = arith.constant 160 : i32
    %add3A_34 = arith.addi %mul3A_32, %add3A_33 : i32
    "tpu.region"() ({
      %run_scoped3A = tpu.sem_alloc : memref<!tpu.dma_semaphore, #tpu.memory_space<semaphore_mem>>
      %dma_start3A_151 = arith.constant 0 : i32
      %dma_start3A_152 = tpu.memref_slice %arg7[%add3A_34, %dma_start3A_151] : memref<10240x144xf32, #tpu.memory_space<vmem_shared>> -> memref<40x144xf32, #tpu.memory_space<vmem_shared>>
      %dma_start3A_153 = arith.constant 0 : i32
      %dma_start3A_154 = tpu.memref_slice %arg7[%add3A_34, %dma_start3A_153] : memref<10240x144xf32, #tpu.memory_space<vmem_shared>> -> memref<40x144xf32, #tpu.memory_space<vmem_shared>>
      tpu.enqueue_dma source(%arg20 : memref<40x144xf32, #tpu.memory_space<vmem>>) target(%dma_start3A_154 : memref<40x144xf32, #tpu.memory_space<vmem_shared>>) target_semaphore(%run_scoped3A : memref<!tpu.dma_semaphore, #tpu.memory_space<semaphore_mem>>)
      %dma_wait3A_155 = arith.constant 0 : i32
      %dma_wait3A_156 = tpu.memref_slice %arg7[%add3A_34, %dma_wait3A_155] : memref<10240x144xf32, #tpu.memory_space<vmem_shared>> -> memref<40x144xf32, #tpu.memory_space<vmem_shared>>
      %dma_wait3A_157 = arith.constant 0 : i32
      %dma_wait3A_158 = tpu.memref_slice %arg7[%add3A_34, %dma_wait3A_157] : memref<10240x144xf32, #tpu.memory_space<vmem_shared>> -> memref<40x144xf32, #tpu.memory_space<vmem_shared>>
      tpu.wait_dma2 semaphore(%run_scoped3A : memref<!tpu.dma_semaphore, #tpu.memory_space<semaphore_mem>>) src(%arg20 : memref<40x144xf32, #tpu.memory_space<vmem>>) dst(%dma_wait3A_158 : memref<40x144xf32, #tpu.memory_space<vmem_shared>>)
      tpu.yield
    }) : () -> ()
    %mul3A_35 = arith.constant 640 : i32
    %mul3A_36 = arith.muli %arg1, %mul3A_35 : i32
    %add3A_37 = arith.constant 200 : i32
    %add3A_38 = arith.addi %mul3A_36, %add3A_37 : i32
    "tpu.region"() ({
      %run_scoped3A = tpu.sem_alloc : memref<!tpu.dma_semaphore, #tpu.memory_space<semaphore_mem>>
      %dma_start3A_151 = arith.constant 0 : i32
      %dma_start3A_152 = tpu.memref_slice %arg7[%add3A_38, %dma_start3A_151] : memref<10240x144xf32, #tpu.memory_space<vmem_shared>> -> memref<40x144xf32, #tpu.memory_space<vmem_shared>>
      %dma_start3A_153 = arith.constant 0 : i32
      %dma_start3A_154 = tpu.memref_slice %arg7[%add3A_38, %dma_start3A_153] : memref<10240x144xf32, #tpu.memory_space<vmem_shared>> -> memref<40x144xf32, #tpu.memory_space<vmem_shared>>
      tpu.enqueue_dma source(%arg20 : memref<40x144xf32, #tpu.memory_space<vmem>>) target(%dma_start3A_154 : memref<40x144xf32, #tpu.memory_space<vmem_shared>>) target_semaphore(%run_scoped3A : memref<!tpu.dma_semaphore, #tpu.memory_space<semaphore_mem>>)
      %dma_wait3A_155 = arith.constant 0 : i32
      %dma_wait3A_156 = tpu.memref_slice %arg7[%add3A_38, %dma_wait3A_155] : memref<10240x144xf32, #tpu.memory_space<vmem_shared>> -> memref<40x144xf32, #tpu.memory_space<vmem_shared>>
      %dma_wait3A_157 = arith.constant 0 : i32
      %dma_wait3A_158 = tpu.memref_slice %arg7[%add3A_38, %dma_wait3A_157] : memref<10240x144xf32, #tpu.memory_space<vmem_shared>> -> memref<40x144xf32, #tpu.memory_space<vmem_shared>>
      tpu.wait_dma2 semaphore(%run_scoped3A : memref<!tpu.dma_semaphore, #tpu.memory_space<semaphore_mem>>) src(%arg20 : memref<40x144xf32, #tpu.memory_space<vmem>>) dst(%dma_wait3A_158 : memref<40x144xf32, #tpu.memory_space<vmem_shared>>)
      tpu.yield
    }) : () -> ()
    %mul3A_39 = arith.constant 640 : i32
    %mul3A_40 = arith.muli %arg1, %mul3A_39 : i32
    %add3A_41 = arith.constant 240 : i32
    %add3A_42 = arith.addi %mul3A_40, %add3A_41 : i32
    "tpu.region"() ({
      %run_scoped3A = tpu.sem_alloc : memref<!tpu.dma_semaphore, #tpu.memory_space<semaphore_mem>>
      %dma_start3A_151 = arith.constant 0 : i32
      %dma_start3A_152 = tpu.memref_slice %arg7[%add3A_42, %dma_start3A_151] : memref<10240x144xf32, #tpu.memory_space<vmem_shared>> -> memref<40x144xf32, #tpu.memory_space<vmem_shared>>
      %dma_start3A_153 = arith.constant 0 : i32
      %dma_start3A_154 = tpu.memref_slice %arg7[%add3A_42, %dma_start3A_153] : memref<10240x144xf32, #tpu.memory_space<vmem_shared>> -> memref<40x144xf32, #tpu.memory_space<vmem_shared>>
      tpu.enqueue_dma source(%arg20 : memref<40x144xf32, #tpu.memory_space<vmem>>) target(%dma_start3A_154 : memref<40x144xf32, #tpu.memory_space<vmem_shared>>) target_semaphore(%run_scoped3A : memref<!tpu.dma_semaphore, #tpu.memory_space<semaphore_mem>>)
      %dma_wait3A_155 = arith.constant 0 : i32
      %dma_wait3A_156 = tpu.memref_slice %arg7[%add3A_42, %dma_wait3A_155] : memref<10240x144xf32, #tpu.memory_space<vmem_shared>> -> memref<40x144xf32, #tpu.memory_space<vmem_shared>>
      %dma_wait3A_157 = arith.constant 0 : i32
      %dma_wait3A_158 = tpu.memref_slice %arg7[%add3A_42, %dma_wait3A_157] : memref<10240x144xf32, #tpu.memory_space<vmem_shared>> -> memref<40x144xf32, #tpu.memory_space<vmem_shared>>
      tpu.wait_dma2 semaphore(%run_scoped3A : memref<!tpu.dma_semaphore, #tpu.memory_space<semaphore_mem>>) src(%arg20 : memref<40x144xf32, #tpu.memory_space<vmem>>) dst(%dma_wait3A_158 : memref<40x144xf32, #tpu.memory_space<vmem_shared>>)
      tpu.yield
    }) : () -> ()
    %mul3A_43 = arith.constant 640 : i32
    %mul3A_44 = arith.muli %arg1, %mul3A_43 : i32
    %add3A_45 = arith.constant 280 : i32
    %add3A_46 = arith.addi %mul3A_44, %add3A_45 : i32
    "tpu.region"() ({
      %run_scoped3A = tpu.sem_alloc : memref<!tpu.dma_semaphore, #tpu.memory_space<semaphore_mem>>
      %dma_start3A_151 = arith.constant 0 : i32
      %dma_start3A_152 = tpu.memref_slice %arg7[%add3A_46, %dma_start3A_151] : memref<10240x144xf32, #tpu.memory_space<vmem_shared>> -> memref<40x144xf32, #tpu.memory_space<vmem_shared>>
      %dma_start3A_153 = arith.constant 0 : i32
      %dma_start3A_154 = tpu.memref_slice %arg7[%add3A_46, %dma_start3A_153] : memref<10240x144xf32, #tpu.memory_space<vmem_shared>> -> memref<40x144xf32, #tpu.memory_space<vmem_shared>>
      tpu.enqueue_dma source(%arg20 : memref<40x144xf32, #tpu.memory_space<vmem>>) target(%dma_start3A_154 : memref<40x144xf32, #tpu.memory_space<vmem_shared>>) target_semaphore(%run_scoped3A : memref<!tpu.dma_semaphore, #tpu.memory_space<semaphore_mem>>)
      %dma_wait3A_155 = arith.constant 0 : i32
      %dma_wait3A_156 = tpu.memref_slice %arg7[%add3A_46, %dma_wait3A_155] : memref<10240x144xf32, #tpu.memory_space<vmem_shared>> -> memref<40x144xf32, #tpu.memory_space<vmem_shared>>
      %dma_wait3A_157 = arith.constant 0 : i32
      %dma_wait3A_158 = tpu.memref_slice %arg7[%add3A_46, %dma_wait3A_157] : memref<10240x144xf32, #tpu.memory_space<vmem_shared>> -> memref<40x144xf32, #tpu.memory_space<vmem_shared>>
      tpu.wait_dma2 semaphore(%run_scoped3A : memref<!tpu.dma_semaphore, #tpu.memory_space<semaphore_mem>>) src(%arg20 : memref<40x144xf32, #tpu.memory_space<vmem>>) dst(%dma_wait3A_158 : memref<40x144xf32, #tpu.memory_space<vmem_shared>>)
      tpu.yield
    }) : () -> ()
    %mul3A_47 = arith.constant 640 : i32
    %mul3A_48 = arith.muli %arg1, %mul3A_47 : i32
    %add3A_49 = arith.constant 320 : i32
    %add3A_50 = arith.addi %mul3A_48, %add3A_49 : i32
    "tpu.region"() ({
      %run_scoped3A = tpu.sem_alloc : memref<!tpu.dma_semaphore, #tpu.memory_space<semaphore_mem>>
      %dma_start3A_151 = arith.constant 0 : i32
      %dma_start3A_152 = tpu.memref_slice %arg7[%add3A_50, %dma_start3A_151] : memref<10240x144xf32, #tpu.memory_space<vmem_shared>> -> memref<40x144xf32, #tpu.memory_space<vmem_shared>>
      %dma_start3A_153 = arith.constant 0 : i32
      %dma_start3A_154 = tpu.memref_slice %arg7[%add3A_50, %dma_start3A_153] : memref<10240x144xf32, #tpu.memory_space<vmem_shared>> -> memref<40x144xf32, #tpu.memory_space<vmem_shared>>
      tpu.enqueue_dma source(%arg20 : memref<40x144xf32, #tpu.memory_space<vmem>>) target(%dma_start3A_154 : memref<40x144xf32, #tpu.memory_space<vmem_shared>>) target_semaphore(%run_scoped3A : memref<!tpu.dma_semaphore, #tpu.memory_space<semaphore_mem>>)
      %dma_wait3A_155 = arith.constant 0 : i32
      %dma_wait3A_156 = tpu.memref_slice %arg7[%add3A_50, %dma_wait3A_155] : memref<10240x144xf32, #tpu.memory_space<vmem_shared>> -> memref<40x144xf32, #tpu.memory_space<vmem_shared>>
      %dma_wait3A_157 = arith.constant 0 : i32
      %dma_wait3A_158 = tpu.memref_slice %arg7[%add3A_50, %dma_wait3A_157] : memref<10240x144xf32, #tpu.memory_space<vmem_shared>> -> memref<40x144xf32, #tpu.memory_space<vmem_shared>>
      tpu.wait_dma2 semaphore(%run_scoped3A : memref<!tpu.dma_semaphore, #tpu.memory_space<semaphore_mem>>) src(%arg20 : memref<40x144xf32, #tpu.memory_space<vmem>>) dst(%dma_wait3A_158 : memref<40x144xf32, #tpu.memory_space<vmem_shared>>)
      tpu.yield
    }) : () -> ()
    %mul3A_51 = arith.constant 640 : i32
    %mul3A_52 = arith.muli %arg1, %mul3A_51 : i32
    %add3A_53 = arith.constant 360 : i32
    %add3A_54 = arith.addi %mul3A_52, %add3A_53 : i32
    "tpu.region"() ({
      %run_scoped3A = tpu.sem_alloc : memref<!tpu.dma_semaphore, #tpu.memory_space<semaphore_mem>>
      %dma_start3A_151 = arith.constant 0 : i32
      %dma_start3A_152 = tpu.memref_slice %arg7[%add3A_54, %dma_start3A_151] : memref<10240x144xf32, #tpu.memory_space<vmem_shared>> -> memref<40x144xf32, #tpu.memory_space<vmem_shared>>
      %dma_start3A_153 = arith.constant 0 : i32
      %dma_start3A_154 = tpu.memref_slice %arg7[%add3A_54, %dma_start3A_153] : memref<10240x144xf32, #tpu.memory_space<vmem_shared>> -> memref<40x144xf32, #tpu.memory_space<vmem_shared>>
      tpu.enqueue_dma source(%arg20 : memref<40x144xf32, #tpu.memory_space<vmem>>) target(%dma_start3A_154 : memref<40x144xf32, #tpu.memory_space<vmem_shared>>) target_semaphore(%run_scoped3A : memref<!tpu.dma_semaphore, #tpu.memory_space<semaphore_mem>>)
      %dma_wait3A_155 = arith.constant 0 : i32
      %dma_wait3A_156 = tpu.memref_slice %arg7[%add3A_54, %dma_wait3A_155] : memref<10240x144xf32, #tpu.memory_space<vmem_shared>> -> memref<40x144xf32, #tpu.memory_space<vmem_shared>>
      %dma_wait3A_157 = arith.constant 0 : i32
      %dma_wait3A_158 = tpu.memref_slice %arg7[%add3A_54, %dma_wait3A_157] : memref<10240x144xf32, #tpu.memory_space<vmem_shared>> -> memref<40x144xf32, #tpu.memory_space<vmem_shared>>
      tpu.wait_dma2 semaphore(%run_scoped3A : memref<!tpu.dma_semaphore, #tpu.memory_space<semaphore_mem>>) src(%arg20 : memref<40x144xf32, #tpu.memory_space<vmem>>) dst(%dma_wait3A_158 : memref<40x144xf32, #tpu.memory_space<vmem_shared>>)
      tpu.yield
    }) : () -> ()
    %mul3A_55 = arith.constant 640 : i32
    %mul3A_56 = arith.muli %arg1, %mul3A_55 : i32
    %add3A_57 = arith.constant 400 : i32
    %add3A_58 = arith.addi %mul3A_56, %add3A_57 : i32
    "tpu.region"() ({
      %run_scoped3A = tpu.sem_alloc : memref<!tpu.dma_semaphore, #tpu.memory_space<semaphore_mem>>
      %dma_start3A_151 = arith.constant 0 : i32
      %dma_start3A_152 = tpu.memref_slice %arg7[%add3A_58, %dma_start3A_151] : memref<10240x144xf32, #tpu.memory_space<vmem_shared>> -> memref<40x144xf32, #tpu.memory_space<vmem_shared>>
      %dma_start3A_153 = arith.constant 0 : i32
      %dma_start3A_154 = tpu.memref_slice %arg7[%add3A_58, %dma_start3A_153] : memref<10240x144xf32, #tpu.memory_space<vmem_shared>> -> memref<40x144xf32, #tpu.memory_space<vmem_shared>>
      tpu.enqueue_dma source(%arg20 : memref<40x144xf32, #tpu.memory_space<vmem>>) target(%dma_start3A_154 : memref<40x144xf32, #tpu.memory_space<vmem_shared>>) target_semaphore(%run_scoped3A : memref<!tpu.dma_semaphore, #tpu.memory_space<semaphore_mem>>)
      %dma_wait3A_155 = arith.constant 0 : i32
      %dma_wait3A_156 = tpu.memref_slice %arg7[%add3A_58, %dma_wait3A_155] : memref<10240x144xf32, #tpu.memory_space<vmem_shared>> -> memref<40x144xf32, #tpu.memory_space<vmem_shared>>
      %dma_wait3A_157 = arith.constant 0 : i32
      %dma_wait3A_158 = tpu.memref_slice %arg7[%add3A_58, %dma_wait3A_157] : memref<10240x144xf32, #tpu.memory_space<vmem_shared>> -> memref<40x144xf32, #tpu.memory_space<vmem_shared>>
      tpu.wait_dma2 semaphore(%run_scoped3A : memref<!tpu.dma_semaphore, #tpu.memory_space<semaphore_mem>>) src(%arg20 : memref<40x144xf32, #tpu.memory_space<vmem>>) dst(%dma_wait3A_158 : memref<40x144xf32, #tpu.memory_space<vmem_shared>>)
      tpu.yield
    }) : () -> ()
    %mul3A_59 = arith.constant 640 : i32
    %mul3A_60 = arith.muli %arg1, %mul3A_59 : i32
    %add3A_61 = arith.constant 440 : i32
    %add3A_62 = arith.addi %mul3A_60, %add3A_61 : i32
    "tpu.region"() ({
      %run_scoped3A = tpu.sem_alloc : memref<!tpu.dma_semaphore, #tpu.memory_space<semaphore_mem>>
      %dma_start3A_151 = arith.constant 0 : i32
      %dma_start3A_152 = tpu.memref_slice %arg7[%add3A_62, %dma_start3A_151] : memref<10240x144xf32, #tpu.memory_space<vmem_shared>> -> memref<40x144xf32, #tpu.memory_space<vmem_shared>>
      %dma_start3A_153 = arith.constant 0 : i32
      %dma_start3A_154 = tpu.memref_slice %arg7[%add3A_62, %dma_start3A_153] : memref<10240x144xf32, #tpu.memory_space<vmem_shared>> -> memref<40x144xf32, #tpu.memory_space<vmem_shared>>
      tpu.enqueue_dma source(%arg20 : memref<40x144xf32, #tpu.memory_space<vmem>>) target(%dma_start3A_154 : memref<40x144xf32, #tpu.memory_space<vmem_shared>>) target_semaphore(%run_scoped3A : memref<!tpu.dma_semaphore, #tpu.memory_space<semaphore_mem>>)
      %dma_wait3A_155 = arith.constant 0 : i32
      %dma_wait3A_156 = tpu.memref_slice %arg7[%add3A_62, %dma_wait3A_155] : memref<10240x144xf32, #tpu.memory_space<vmem_shared>> -> memref<40x144xf32, #tpu.memory_space<vmem_shared>>
      %dma_wait3A_157 = arith.constant 0 : i32
      %dma_wait3A_158 = tpu.memref_slice %arg7[%add3A_62, %dma_wait3A_157] : memref<10240x144xf32, #tpu.memory_space<vmem_shared>> -> memref<40x144xf32, #tpu.memory_space<vmem_shared>>
      tpu.wait_dma2 semaphore(%run_scoped3A : memref<!tpu.dma_semaphore, #tpu.memory_space<semaphore_mem>>) src(%arg20 : memref<40x144xf32, #tpu.memory_space<vmem>>) dst(%dma_wait3A_158 : memref<40x144xf32, #tpu.memory_space<vmem_shared>>)
      tpu.yield
    }) : () -> ()
    %mul3A_63 = arith.constant 640 : i32
    %mul3A_64 = arith.muli %arg1, %mul3A_63 : i32
    %add3A_65 = arith.constant 480 : i32
    %add3A_66 = arith.addi %mul3A_64, %add3A_65 : i32
    "tpu.region"() ({
      %run_scoped3A = tpu.sem_alloc : memref<!tpu.dma_semaphore, #tpu.memory_space<semaphore_mem>>
      %dma_start3A_151 = arith.constant 0 : i32
      %dma_start3A_152 = tpu.memref_slice %arg7[%add3A_66, %dma_start3A_151] : memref<10240x144xf32, #tpu.memory_space<vmem_shared>> -> memref<40x144xf32, #tpu.memory_space<vmem_shared>>
      %dma_start3A_153 = arith.constant 0 : i32
      %dma_start3A_154 = tpu.memref_slice %arg7[%add3A_66, %dma_start3A_153] : memref<10240x144xf32, #tpu.memory_space<vmem_shared>> -> memref<40x144xf32, #tpu.memory_space<vmem_shared>>
      tpu.enqueue_dma source(%arg20 : memref<40x144xf32, #tpu.memory_space<vmem>>) target(%dma_start3A_154 : memref<40x144xf32, #tpu.memory_space<vmem_shared>>) target_semaphore(%run_scoped3A : memref<!tpu.dma_semaphore, #tpu.memory_space<semaphore_mem>>)
      %dma_wait3A_155 = arith.constant 0 : i32
      %dma_wait3A_156 = tpu.memref_slice %arg7[%add3A_66, %dma_wait3A_155] : memref<10240x144xf32, #tpu.memory_space<vmem_shared>> -> memref<40x144xf32, #tpu.memory_space<vmem_shared>>
      %dma_wait3A_157 = arith.constant 0 : i32
      %dma_wait3A_158 = tpu.memref_slice %arg7[%add3A_66, %dma_wait3A_157] : memref<10240x144xf32, #tpu.memory_space<vmem_shared>> -> memref<40x144xf32, #tpu.memory_space<vmem_shared>>
      tpu.wait_dma2 semaphore(%run_scoped3A : memref<!tpu.dma_semaphore, #tpu.memory_space<semaphore_mem>>) src(%arg20 : memref<40x144xf32, #tpu.memory_space<vmem>>) dst(%dma_wait3A_158 : memref<40x144xf32, #tpu.memory_space<vmem_shared>>)
      tpu.yield
    }) : () -> ()
    %mul3A_67 = arith.constant 640 : i32
    %mul3A_68 = arith.muli %arg1, %mul3A_67 : i32
    %add3A_69 = arith.constant 520 : i32
    %add3A_70 = arith.addi %mul3A_68, %add3A_69 : i32
    "tpu.region"() ({
      %run_scoped3A = tpu.sem_alloc : memref<!tpu.dma_semaphore, #tpu.memory_space<semaphore_mem>>
      %dma_start3A_151 = arith.constant 0 : i32
      %dma_start3A_152 = tpu.memref_slice %arg7[%add3A_70, %dma_start3A_151] : memref<10240x144xf32, #tpu.memory_space<vmem_shared>> -> memref<40x144xf32, #tpu.memory_space<vmem_shared>>
      %dma_start3A_153 = arith.constant 0 : i32
      %dma_start3A_154 = tpu.memref_slice %arg7[%add3A_70, %dma_start3A_153] : memref<10240x144xf32, #tpu.memory_space<vmem_shared>> -> memref<40x144xf32, #tpu.memory_space<vmem_shared>>
      tpu.enqueue_dma source(%arg20 : memref<40x144xf32, #tpu.memory_space<vmem>>) target(%dma_start3A_154 : memref<40x144xf32, #tpu.memory_space<vmem_shared>>) target_semaphore(%run_scoped3A : memref<!tpu.dma_semaphore, #tpu.memory_space<semaphore_mem>>)
      %dma_wait3A_155 = arith.constant 0 : i32
      %dma_wait3A_156 = tpu.memref_slice %arg7[%add3A_70, %dma_wait3A_155] : memref<10240x144xf32, #tpu.memory_space<vmem_shared>> -> memref<40x144xf32, #tpu.memory_space<vmem_shared>>
      %dma_wait3A_157 = arith.constant 0 : i32
      %dma_wait3A_158 = tpu.memref_slice %arg7[%add3A_70, %dma_wait3A_157] : memref<10240x144xf32, #tpu.memory_space<vmem_shared>> -> memref<40x144xf32, #tpu.memory_space<vmem_shared>>
      tpu.wait_dma2 semaphore(%run_scoped3A : memref<!tpu.dma_semaphore, #tpu.memory_space<semaphore_mem>>) src(%arg20 : memref<40x144xf32, #tpu.memory_space<vmem>>) dst(%dma_wait3A_158 : memref<40x144xf32, #tpu.memory_space<vmem_shared>>)
      tpu.yield
    }) : () -> ()
    %mul3A_71 = arith.constant 640 : i32
    %mul3A_72 = arith.muli %arg1, %mul3A_71 : i32
    %add3A_73 = arith.constant 560 : i32
    %add3A_74 = arith.addi %mul3A_72, %add3A_73 : i32
    "tpu.region"() ({
      %run_scoped3A = tpu.sem_alloc : memref<!tpu.dma_semaphore, #tpu.memory_space<semaphore_mem>>
      %dma_start3A_151 = arith.constant 0 : i32
      %dma_start3A_152 = tpu.memref_slice %arg7[%add3A_74, %dma_start3A_151] : memref<10240x144xf32, #tpu.memory_space<vmem_shared>> -> memref<40x144xf32, #tpu.memory_space<vmem_shared>>
      %dma_start3A_153 = arith.constant 0 : i32
      %dma_start3A_154 = tpu.memref_slice %arg7[%add3A_74, %dma_start3A_153] : memref<10240x144xf32, #tpu.memory_space<vmem_shared>> -> memref<40x144xf32, #tpu.memory_space<vmem_shared>>
      tpu.enqueue_dma source(%arg20 : memref<40x144xf32, #tpu.memory_space<vmem>>) target(%dma_start3A_154 : memref<40x144xf32, #tpu.memory_space<vmem_shared>>) target_semaphore(%run_scoped3A : memref<!tpu.dma_semaphore, #tpu.memory_space<semaphore_mem>>)
      %dma_wait3A_155 = arith.constant 0 : i32
      %dma_wait3A_156 = tpu.memref_slice %arg7[%add3A_74, %dma_wait3A_155] : memref<10240x144xf32, #tpu.memory_space<vmem_shared>> -> memref<40x144xf32, #tpu.memory_space<vmem_shared>>
      %dma_wait3A_157 = arith.constant 0 : i32
      %dma_wait3A_158 = tpu.memref_slice %arg7[%add3A_74, %dma_wait3A_157] : memref<10240x144xf32, #tpu.memory_space<vmem_shared>> -> memref<40x144xf32, #tpu.memory_space<vmem_shared>>
      tpu.wait_dma2 semaphore(%run_scoped3A : memref<!tpu.dma_semaphore, #tpu.memory_space<semaphore_mem>>) src(%arg20 : memref<40x144xf32, #tpu.memory_space<vmem>>) dst(%dma_wait3A_158 : memref<40x144xf32, #tpu.memory_space<vmem_shared>>)
      tpu.yield
    }) : () -> ()
    %mul3A_75 = arith.constant 640 : i32
    %mul3A_76 = arith.muli %arg1, %mul3A_75 : i32
    %add3A_77 = arith.constant 600 : i32
    %add3A_78 = arith.addi %mul3A_76, %add3A_77 : i32
    "tpu.region"() ({
      %run_scoped3A = tpu.sem_alloc : memref<!tpu.dma_semaphore, #tpu.memory_space<semaphore_mem>>
      %dma_start3A_151 = arith.constant 0 : i32
      %dma_start3A_152 = tpu.memref_slice %arg7[%add3A_78, %dma_start3A_151] : memref<10240x144xf32, #tpu.memory_space<vmem_shared>> -> memref<40x144xf32, #tpu.memory_space<vmem_shared>>
      %dma_start3A_153 = arith.constant 0 : i32
      %dma_start3A_154 = tpu.memref_slice %arg7[%add3A_78, %dma_start3A_153] : memref<10240x144xf32, #tpu.memory_space<vmem_shared>> -> memref<40x144xf32, #tpu.memory_space<vmem_shared>>
      tpu.enqueue_dma source(%arg20 : memref<40x144xf32, #tpu.memory_space<vmem>>) target(%dma_start3A_154 : memref<40x144xf32, #tpu.memory_space<vmem_shared>>) target_semaphore(%run_scoped3A : memref<!tpu.dma_semaphore, #tpu.memory_space<semaphore_mem>>)
      %dma_wait3A_155 = arith.constant 0 : i32
      %dma_wait3A_156 = tpu.memref_slice %arg7[%add3A_78, %dma_wait3A_155] : memref<10240x144xf32, #tpu.memory_space<vmem_shared>> -> memref<40x144xf32, #tpu.memory_space<vmem_shared>>
      %dma_wait3A_157 = arith.constant 0 : i32
      %dma_wait3A_158 = tpu.memref_slice %arg7[%add3A_78, %dma_wait3A_157] : memref<10240x144xf32, #tpu.memory_space<vmem_shared>> -> memref<40x144xf32, #tpu.memory_space<vmem_shared>>
      tpu.wait_dma2 semaphore(%run_scoped3A : memref<!tpu.dma_semaphore, #tpu.memory_space<semaphore_mem>>) src(%arg20 : memref<40x144xf32, #tpu.memory_space<vmem>>) dst(%dma_wait3A_158 : memref<40x144xf32, #tpu.memory_space<vmem_shared>>)
      tpu.yield
    }) : () -> ()
    %barrier3A = arith.constant 0 : index
    tpu.barrier barrier_id(%barrier3A)
    %mul3A_79 = arith.constant 10000 : i32
    %mul3A_80 = arith.muli %add3A, %mul3A_79 : i32
    %min3A_81 = arith.constant 0 : i32
    %min3A_82 = arith.constant 249 : i32
    %min3A_83 = arith.minsi %min3A_81, %min3A_82 : i32
    %mul3A_84 = arith.constant 40 : i32
    %mul3A_85 = arith.muli %min3A_83, %mul3A_84 : i32
    %add3A_86 = arith.addi %mul3A_80, %mul3A_85 : i32
    %dma_start3A = tpu.memref_slice %arg2[%add3A_86] : memref<320000xi32, #tpu.memory_space<hbm>> -> memref<40xi32, #tpu.memory_space<hbm>>
    %dma_start3A_87 = tpu.memref_slice %arg2[%add3A_86] : memref<320000xi32, #tpu.memory_space<hbm>> -> memref<40xi32, #tpu.memory_space<hbm>>
    tpu.enqueue_dma source(%dma_start3A_87 : memref<40xi32, #tpu.memory_space<hbm>>) target(%arg8 : memref<40xi32, #tpu.memory_space<vmem>>) target_semaphore(%arg22 : memref<!tpu.dma_semaphore, #tpu.memory_space<semaphore_mem>>)
    %dma_start3A_88 = tpu.memref_slice %arg3[%add3A_86] : memref<320000xi32, #tpu.memory_space<hbm>> -> memref<40xi32, #tpu.memory_space<hbm>>
    %dma_start3A_89 = tpu.memref_slice %arg3[%add3A_86] : memref<320000xi32, #tpu.memory_space<hbm>> -> memref<40xi32, #tpu.memory_space<hbm>>
    tpu.enqueue_dma source(%dma_start3A_89 : memref<40xi32, #tpu.memory_space<hbm>>) target(%arg10 : memref<40xi32, #tpu.memory_space<vmem>>) target_semaphore(%arg22 : memref<!tpu.dma_semaphore, #tpu.memory_space<semaphore_mem>>)
    %dma_wait3A = arith.constant 0 : i32
    %dma_wait3A_90 = tpu.memref_slice %arg2[%dma_wait3A] : memref<320000xi32, #tpu.memory_space<hbm>> -> memref<40xi32, #tpu.memory_space<hbm>>
    %dma_wait3A_91 = arith.constant 0 : i32
    %dma_wait3A_92 = tpu.memref_slice %arg2[%dma_wait3A_91] : memref<320000xi32, #tpu.memory_space<hbm>> -> memref<40xi32, #tpu.memory_space<hbm>>
    tpu.wait_dma2 semaphore(%arg22 : memref<!tpu.dma_semaphore, #tpu.memory_space<semaphore_mem>>) src(%dma_wait3A_92 : memref<40xi32, #tpu.memory_space<hbm>>) dst(%arg8 : memref<40xi32, #tpu.memory_space<vmem>>)
    %dma_wait3A_93 = arith.constant 0 : i32
    %dma_wait3A_94 = tpu.memref_slice %arg3[%dma_wait3A_93] : memref<320000xi32, #tpu.memory_space<hbm>> -> memref<40xi32, #tpu.memory_space<hbm>>
    %dma_wait3A_95 = arith.constant 0 : i32
    %dma_wait3A_96 = tpu.memref_slice %arg3[%dma_wait3A_95] : memref<320000xi32, #tpu.memory_space<hbm>> -> memref<40xi32, #tpu.memory_space<hbm>>
    tpu.wait_dma2 semaphore(%arg22 : memref<!tpu.dma_semaphore, #tpu.memory_space<semaphore_mem>>) src(%dma_wait3A_96 : memref<40xi32, #tpu.memory_space<hbm>>) dst(%arg10 : memref<40xi32, #tpu.memory_space<vmem>>)
    %dma_start3A_97 = arith.constant 0 : i32
    %dma_start3A_98 = arith.constant 0 : i32
    %dma_start3A_99 = tpu.memref_slice %arg4[%dma_start3A_97, %dma_start3A_98] : memref<10000x128xf32, #tpu.memory_space<hbm>> -> memref<10000x128xf32, #tpu.memory_space<hbm>>
    tpu.enqueue_indirect_dma source(%dma_start3A_99 : memref<10000x128xf32, #tpu.memory_space<hbm>>) target(%arg18 : memref<40x128xf32, #tpu.memory_space<vmem>>) offsets(%arg8 : memref<40xi32, #tpu.memory_space<vmem>>) semaphore(%arg24 : memref<!tpu.dma_semaphore, #tpu.memory_space<semaphore_mem>>)
    %dma_start3A_100 = arith.constant 0 : i32
    %dma_start3A_101 = arith.constant 0 : i32
    %dma_start3A_102 = tpu.memref_slice %arg5[%dma_start3A_100, %dma_start3A_101] : memref<10000x16xf32, #tpu.memory_space<hbm>> -> memref<10000x16xf32, #tpu.memory_space<hbm>>
    tpu.enqueue_indirect_dma source(%dma_start3A_102 : memref<10000x16xf32, #tpu.memory_space<hbm>>) target(%arg14 : memref<40x16xf32, #tpu.memory_space<vmem>>) offsets(%arg8 : memref<40xi32, #tpu.memory_space<vmem>>) semaphore(%arg24 : memref<!tpu.dma_semaphore, #tpu.memory_space<semaphore_mem>>)
    %dma_start3A_103 = arith.constant 0 : i32
    %dma_start3A_104 = arith.constant 0 : i32
    %dma_start3A_105 = tpu.memref_slice %arg5[%dma_start3A_103, %dma_start3A_104] : memref<10000x16xf32, #tpu.memory_space<hbm>> -> memref<10000x16xf32, #tpu.memory_space<hbm>>
    tpu.enqueue_indirect_dma source(%dma_start3A_105 : memref<10000x16xf32, #tpu.memory_space<hbm>>) target(%arg16 : memref<40x16xf32, #tpu.memory_space<vmem>>) offsets(%arg10 : memref<40xi32, #tpu.memory_space<vmem>>) semaphore(%arg24 : memref<!tpu.dma_semaphore, #tpu.memory_space<semaphore_mem>>)
    %min3A_106 = arith.constant 1 : i32
    %min3A_107 = arith.constant 249 : i32
    %min3A_108 = arith.minsi %min3A_106, %min3A_107 : i32
    %mul3A_109 = arith.constant 40 : i32
    %mul3A_110 = arith.muli %min3A_108, %mul3A_109 : i32
    %add3A_111 = arith.addi %mul3A_80, %mul3A_110 : i32
    %dma_start3A_112 = tpu.memref_slice %arg2[%add3A_111] : memref<320000xi32, #tpu.memory_space<hbm>> -> memref<40xi32, #tpu.memory_space<hbm>>
    %dma_start3A_113 = tpu.memref_slice %arg2[%add3A_111] : memref<320000xi32, #tpu.memory_space<hbm>> -> memref<40xi32, #tpu.memory_space<hbm>>
    tpu.enqueue_dma source(%dma_start3A_113 : memref<40xi32, #tpu.memory_space<hbm>>) target(%arg9 : memref<40xi32, #tpu.memory_space<vmem>>) target_semaphore(%arg23 : memref<!tpu.dma_semaphore, #tpu.memory_space<semaphore_mem>>)
    %dma_start3A_114 = tpu.memref_slice %arg3[%add3A_111] : memref<320000xi32, #tpu.memory_space<hbm>> -> memref<40xi32, #tpu.memory_space<hbm>>
    %dma_start3A_115 = tpu.memref_slice %arg3[%add3A_111] : memref<320000xi32, #tpu.memory_space<hbm>> -> memref<40xi32, #tpu.memory_space<hbm>>
    tpu.enqueue_dma source(%dma_start3A_115 : memref<40xi32, #tpu.memory_space<hbm>>) target(%arg11 : memref<40xi32, #tpu.memory_space<vmem>>) target_semaphore(%arg23 : memref<!tpu.dma_semaphore, #tpu.memory_space<semaphore_mem>>)
    %scan3A_116 = arith.constant 0 : i32
    %scan3A_117 = arith.constant 0 : i32
    %scan3A_118 = arith.constant 125 : i32
    %scan3A_119 = arith.addi %scan3A_117, %scan3A_118 : i32
    %scan3A_120 = arith.constant 1 : i32
    %scan3A_121 = scf.for %scan3A_151 = %scan3A_117 to %scan3A_119 step %scan3A_120 iter_args(%scan3A_152 = %scan3A_116) -> (i32)  : i32 {
      %mul3A_153 = arith.constant 2 : i32
      %mul3A_154 = arith.muli %mul3A_153, %scan3A_151 : i32
      %dma_wait3A_155 = arith.constant 0 : i32
      %dma_wait3A_156 = arith.constant 0 : i32
      %dma_wait3A_157 = tpu.memref_slice %arg4[%dma_wait3A_155, %dma_wait3A_156] : memref<10000x128xf32, #tpu.memory_space<hbm>> -> memref<10000x128xf32, #tpu.memory_space<hbm>>
      tpu.wait_indirect_dma semaphore(%arg24 : memref<!tpu.dma_semaphore, #tpu.memory_space<semaphore_mem>>) src(%dma_wait3A_157 : memref<10000x128xf32, #tpu.memory_space<hbm>>) dst(%arg18 : memref<40x128xf32, #tpu.memory_space<vmem>>)
      %dma_wait3A_158 = arith.constant 0 : i32
      %dma_wait3A_159 = arith.constant 0 : i32
      %dma_wait3A_160 = tpu.memref_slice %arg5[%dma_wait3A_158, %dma_wait3A_159] : memref<10000x16xf32, #tpu.memory_space<hbm>> -> memref<10000x16xf32, #tpu.memory_space<hbm>>
      tpu.wait_indirect_dma semaphore(%arg24 : memref<!tpu.dma_semaphore, #tpu.memory_space<semaphore_mem>>) src(%dma_wait3A_160 : memref<10000x16xf32, #tpu.memory_space<hbm>>) dst(%arg14 : memref<40x16xf32, #tpu.memory_space<vmem>>)
      %dma_wait3A_161 = arith.constant 0 : i32
      %dma_wait3A_162 = arith.constant 0 : i32
      %dma_wait3A_163 = tpu.memref_slice %arg5[%dma_wait3A_161, %dma_wait3A_162] : memref<10000x16xf32, #tpu.memory_space<hbm>> -> memref<10000x16xf32, #tpu.memory_space<hbm>>
      tpu.wait_indirect_dma semaphore(%arg24 : memref<!tpu.dma_semaphore, #tpu.memory_space<semaphore_mem>>) src(%dma_wait3A_163 : memref<10000x16xf32, #tpu.memory_space<hbm>>) dst(%arg16 : memref<40x16xf32, #tpu.memory_space<vmem>>)
      %dma_wait3A_164 = arith.constant 0 : i32
      %dma_wait3A_165 = tpu.memref_slice %arg2[%dma_wait3A_164] : memref<320000xi32, #tpu.memory_space<hbm>> -> memref<40xi32, #tpu.memory_space<hbm>>
      %dma_wait3A_166 = arith.constant 0 : i32
      %dma_wait3A_167 = tpu.memref_slice %arg2[%dma_wait3A_166] : memref<320000xi32, #tpu.memory_space<hbm>> -> memref<40xi32, #tpu.memory_space<hbm>>
      tpu.wait_dma2 semaphore(%arg23 : memref<!tpu.dma_semaphore, #tpu.memory_space<semaphore_mem>>) src(%dma_wait3A_167 : memref<40xi32, #tpu.memory_space<hbm>>) dst(%arg9 : memref<40xi32, #tpu.memory_space<vmem>>)
      %dma_wait3A_168 = arith.constant 0 : i32
      %dma_wait3A_169 = tpu.memref_slice %arg3[%dma_wait3A_168] : memref<320000xi32, #tpu.memory_space<hbm>> -> memref<40xi32, #tpu.memory_space<hbm>>
      %dma_wait3A_170 = arith.constant 0 : i32
      %dma_wait3A_171 = tpu.memref_slice %arg3[%dma_wait3A_170] : memref<320000xi32, #tpu.memory_space<hbm>> -> memref<40xi32, #tpu.memory_space<hbm>>
      tpu.wait_dma2 semaphore(%arg23 : memref<!tpu.dma_semaphore, #tpu.memory_space<semaphore_mem>>) src(%dma_wait3A_171 : memref<40xi32, #tpu.memory_space<hbm>>) dst(%arg11 : memref<40xi32, #tpu.memory_space<vmem>>)
      %dma_start3A_172 = arith.constant 0 : i32
      %dma_start3A_173 = arith.constant 0 : i32
      %dma_start3A_174 = tpu.memref_slice %arg4[%dma_start3A_172, %dma_start3A_173] : memref<10000x128xf32, #tpu.memory_space<hbm>> -> memref<10000x128xf32, #tpu.memory_space<hbm>>
      tpu.enqueue_indirect_dma source(%dma_start3A_174 : memref<10000x128xf32, #tpu.memory_space<hbm>>) target(%arg19 : memref<40x128xf32, #tpu.memory_space<vmem>>) offsets(%arg9 : memref<40xi32, #tpu.memory_space<vmem>>) semaphore(%arg25 : memref<!tpu.dma_semaphore, #tpu.memory_space<semaphore_mem>>)
      %dma_start3A_175 = arith.constant 0 : i32
      %dma_start3A_176 = arith.constant 0 : i32
      %dma_start3A_177 = tpu.memref_slice %arg5[%dma_start3A_175, %dma_start3A_176] : memref<10000x16xf32, #tpu.memory_space<hbm>> -> memref<10000x16xf32, #tpu.memory_space<hbm>>
      tpu.enqueue_indirect_dma source(%dma_start3A_177 : memref<10000x16xf32, #tpu.memory_space<hbm>>) target(%arg15 : memref<40x16xf32, #tpu.memory_space<vmem>>) offsets(%arg9 : memref<40xi32, #tpu.memory_space<vmem>>) semaphore(%arg25 : memref<!tpu.dma_semaphore, #tpu.memory_space<semaphore_mem>>)
      %dma_start3A_178 = arith.constant 0 : i32
      %dma_start3A_179 = arith.constant 0 : i32
      %dma_start3A_180 = tpu.memref_slice %arg5[%dma_start3A_178, %dma_start3A_179] : memref<10000x16xf32, #tpu.memory_space<hbm>> -> memref<10000x16xf32, #tpu.memory_space<hbm>>
      tpu.enqueue_indirect_dma source(%dma_start3A_180 : memref<10000x16xf32, #tpu.memory_space<hbm>>) target(%arg17 : memref<40x16xf32, #tpu.memory_space<vmem>>) offsets(%arg11 : memref<40xi32, #tpu.memory_space<vmem>>) semaphore(%arg25 : memref<!tpu.dma_semaphore, #tpu.memory_space<semaphore_mem>>)
      %gt3A = arith.constant 0 : i32
      %gt3A_181 = arith.cmpi sgt, %scan3A_151, %gt3A : i32
      %convert_element_type3A = arith.extui %gt3A_181 : i1 to i32
      %cond3A = arith.constant 0 : i32
      %cond3A_182 = arith.cmpi ne, %convert_element_type3A, %cond3A : i32
      scf.if %cond3A_182 {
        %dma_wait3A_281 = arith.constant 0 : i32
        %dma_wait3A_282 = arith.constant 0 : i32
        %dma_wait3A_283 = tpu.memref_slice %arg7[%dma_wait3A_281, %dma_wait3A_282] : memref<10240x144xf32, #tpu.memory_space<vmem_shared>> -> memref<10240x144xf32, #tpu.memory_space<vmem_shared>>
        tpu.wait_indirect_dma semaphore(%arg26 : memref<!tpu.dma_semaphore, #tpu.memory_space<semaphore_mem>>) src(%arg20 : memref<40x144xf32, #tpu.memory_space<vmem>>) dst(%dma_wait3A_283 : memref<10240x144xf32, #tpu.memory_space<vmem_shared>>)
      } else {
      }
      %min3A_183 = arith.constant 249 : i32
      %min3A_184 = arith.minsi %mul3A_154, %min3A_183 : i32
      %mul3A_185 = arith.constant 40 : i32
      %mul3A_186 = arith.muli %min3A_184, %mul3A_185 : i32
      %add3A_187 = arith.addi %mul3A_80, %mul3A_186 : i32
      %dma_start3A_188 = tpu.memref_slice %arg3[%add3A_187] : memref<320000xi32, #tpu.memory_space<hbm>> -> memref<40xi32, #tpu.memory_space<hbm>>
      %dma_start3A_189 = tpu.memref_slice %arg3[%add3A_187] : memref<320000xi32, #tpu.memory_space<hbm>> -> memref<40xi32, #tpu.memory_space<hbm>>
      tpu.enqueue_dma source(%dma_start3A_189 : memref<40xi32, #tpu.memory_space<hbm>>) target(%arg12 : memref<40xi32, #tpu.memory_space<vmem>>) target_semaphore(%arg28 : memref<!tpu.dma_semaphore, #tpu.memory_space<semaphore_mem>>)
      %scan3A_190 = arith.constant 0 : i32
      %scan3A_191 = arith.constant 0 : i32
      %scan3A_192 = arith.constant 40 : i32
      %scan3A_193 = arith.addi %scan3A_191, %scan3A_192 : i32
      %scan3A_194 = arith.constant 1 : i32
      %scan3A_195 = scf.for %scan3A_281 = %scan3A_191 to %scan3A_193 step %scan3A_194 iter_args(%scan3A_282 = %scan3A_190) -> (i32)  : i32 {
        %get3A = arith.index_cast %scan3A_281 : i32 to index
        %get3A_283 = arith.constant 0 : index
        %get3A_284 = tpu.vector_load %arg14[%get3A, %get3A_283] {strides = array<i32>} : memref<40x16xf32, #tpu.memory_space<vmem>>, vector<1x16xf32>,
        %get3A_285 = vector.shape_cast %get3A_284 : vector<1x16xf32> to vector<16xf32>
        %get3A_286 = arith.index_cast %scan3A_281 : i32 to index
        %get3A_287 = arith.constant 0 : index
        %get3A_288 = tpu.vector_load %arg16[%get3A_286, %get3A_287] {strides = array<i32>} : memref<40x16xf32, #tpu.memory_space<vmem>>, vector<1x16xf32>,
        %get3A_289 = vector.shape_cast %get3A_288 : vector<1x16xf32> to vector<16xf32>
        %broadcast_in_dim3A_290 = vector.shape_cast %min3A_6 : vector<16xi32> to vector<16x1xi32>
        %gather3A = vector.shape_cast %broadcast_in_dim3A_290 : vector<16x1xi32> to vector<16xi32>
        %gather3A_291 = tpu.dynamic_gather %get3A_289[%gather3A] in [0] : vector<16xf32>, vector<16xi32> -> vector<16xf32>
        %add3A_292 = arith.addf %get3A_285, %gather3A_291 : vector<16xf32>
        %ge3A = arith.constant 0.000000e+00 : f32
        %ge3A_293 = vector.broadcast %ge3A : f32 to vector<16xf32>
        %ge3A_294 = arith.cmpf oge, %add3A_292, %ge3A_293 : vector<16xf32>
        %mul3A_295 = arith.constant 2.000000e-01 : f32
        %mul3A_296 = vector.broadcast %mul3A_295 : f32 to vector<16xf32>
        %mul3A_297 = arith.mulf %mul3A_296, %add3A_292 : vector<16xf32>
        %select_n3A = arith.select %ge3A_294, %add3A_292, %mul3A_297 : vector<16xi1>, vector<16xf32>
        %exp3A = math.exp %select_n3A : vector<16xf32>
        %jit3A = arith.constant 0.000000e+00 : f32
        %broadcast_in_dim3A_298 = vector.broadcast %jit3A : f32 to vector<16xf32>
        %select_n3A_299 = arith.select %lt3A_8, %exp3A, %broadcast_in_dim3A_298 : vector<16xi1>, vector<16xf32>
        %swap3A = arith.index_cast %scan3A_281 : i32 to index
        %swap3A_300 = arith.constant 128 : index
        %swap3A_301 = tpu.vector_load %arg20[%swap3A, %swap3A_300] {strides = array<i32>} : memref<40x144xf32, #tpu.memory_space<vmem>>, vector<1x16xf32>,
        %swap3A_302 = vector.shape_cast %swap3A_301 : vector<1x16xf32> to vector<16xf32>
        %swap3A_303 = vector.shape_cast %select_n3A_299 : vector<16xf32> to vector<1x16xf32>
        tpu.vector_store %arg20[%swap3A, %swap3A_300], %swap3A_303 {strides = array<i32>} : memref<40x144xf32, #tpu.memory_space<vmem>>, vector<1x16xf32>,
        %broadcast_in_dim3A_304 = arith.constant 0 : i32
        %broadcast_in_dim3A_305 = vector.broadcast %broadcast_in_dim3A_304 : i32 to vector<16xi32>
        %broadcast_in_dim3A_306 = vector.shape_cast %broadcast_in_dim3A_305 : vector<16xi32> to vector<16x1xi32>
        %gather3A_307 = vector.shape_cast %broadcast_in_dim3A_306 : vector<16x1xi32> to vector<16xi32>
        %gather3A_308 = tpu.dynamic_gather %exp3A[%gather3A_307] in [0] : vector<16xf32>, vector<16xi32> -> vector<16xf32>
        %get3A_309 = arith.index_cast %scan3A_281 : i32 to index
        %get3A_310 = arith.constant 0 : index
        %get3A_311 = tpu.vector_load %arg18[%get3A_309, %get3A_310] {strides = array<i32>} : memref<40x128xf32, #tpu.memory_space<vmem>>, vector<1x16xf32>,
        %get3A_312 = vector.shape_cast %get3A_311 : vector<1x16xf32> to vector<16xf32>
        %mul3A_313 = arith.mulf %gather3A_308, %get3A_312 : vector<16xf32>
        %swap3A_314 = arith.index_cast %scan3A_281 : i32 to index
        %swap3A_315 = arith.constant 0 : index
        %swap3A_316 = tpu.vector_load %arg20[%swap3A_314, %swap3A_315] {strides = array<i32>} : memref<40x144xf32, #tpu.memory_space<vmem>>, vector<1x16xf32>,
        %swap3A_317 = vector.shape_cast %swap3A_316 : vector<1x16xf32> to vector<16xf32>
        %swap3A_318 = vector.shape_cast %mul3A_313 : vector<16xf32> to vector<1x16xf32>
        tpu.vector_store %arg20[%swap3A_314, %swap3A_315], %swap3A_318 {strides = array<i32>} : memref<40x144xf32, #tpu.memory_space<vmem>>, vector<1x16xf32>,
        %broadcast_in_dim3A_319 = arith.constant 1 : i32
        %broadcast_in_dim3A_320 = vector.broadcast %broadcast_in_dim3A_319 : i32 to vector<16xi32>
        %broadcast_in_dim3A_321 = vector.shape_cast %broadcast_in_dim3A_320 : vector<16xi32> to vector<16x1xi32>
        %gather3A_322 = vector.shape_cast %broadcast_in_dim3A_321 : vector<16x1xi32> to vector<16xi32>
        %gather3A_323 = tpu.dynamic_gather %exp3A[%gather3A_322] in [0] : vector<16xf32>, vector<16xi32> -> vector<16xf32>
        %get3A_324 = arith.index_cast %scan3A_281 : i32 to index
        %get3A_325 = arith.constant 16 : index
        %get3A_326 = tpu.vector_load %arg18[%get3A_324, %get3A_325] {strides = array<i32>} : memref<40x128xf32, #tpu.memory_space<vmem>>, vector<1x16xf32>,
        %get3A_327 = vector.shape_cast %get3A_326 : vector<1x16xf32> to vector<16xf32>
        %mul3A_328 = arith.mulf %gather3A_323, %get3A_327 : vector<16xf32>
        %swap3A_329 = arith.index_cast %scan3A_281 : i32 to index
        %swap3A_330 = arith.constant 16 : index
        %swap3A_331 = tpu.vector_load %arg20[%swap3A_329, %swap3A_330] {strides = array<i32>} : memref<40x144xf32, #tpu.memory_space<vmem>>, vector<1x16xf32>,
        %swap3A_332 = vector.shape_cast %swap3A_331 : vector<1x16xf32> to vector<16xf32>
        %swap3A_333 = vector.shape_cast %mul3A_328 : vector<16xf32> to vector<1x16xf32>
        tpu.vector_store %arg20[%swap3A_329, %swap3A_330], %swap3A_333 {strides = array<i32>} : memref<40x144xf32, #tpu.memory_space<vmem>>, vector<1x16xf32>,
        %broadcast_in_dim3A_334 = arith.constant 2 : i32
        %broadcast_in_dim3A_335 = vector.broadcast %broadcast_in_dim3A_334 : i32 to vector<16xi32>
        %broadcast_in_dim3A_336 = vector.shape_cast %broadcast_in_dim3A_335 : vector<16xi32> to vector<16x1xi32>
        %gather3A_337 = vector.shape_cast %broadcast_in_dim3A_336 : vector<16x1xi32> to vector<16xi32>
        %gather3A_338 = tpu.dynamic_gather %exp3A[%gather3A_337] in [0] : vector<16xf32>, vector<16xi32> -> vector<16xf32>
        %get3A_339 = arith.index_cast %scan3A_281 : i32 to index
        %get3A_340 = arith.constant 32 : index
        %get3A_341 = tpu.vector_load %arg18[%get3A_339, %get3A_340] {strides = array<i32>} : memref<40x128xf32, #tpu.memory_space<vmem>>, vector<1x16xf32>,
        %get3A_342 = vector.shape_cast %get3A_341 : vector<1x16xf32> to vector<16xf32>
        %mul3A_343 = arith.mulf %gather3A_338, %get3A_342 : vector<16xf32>
        %swap3A_344 = arith.index_cast %scan3A_281 : i32 to index
        %swap3A_345 = arith.constant 32 : index
        %swap3A_346 = tpu.vector_load %arg20[%swap3A_344, %swap3A_345] {strides = array<i32>} : memref<40x144xf32, #tpu.memory_space<vmem>>, vector<1x16xf32>,
        %swap3A_347 = vector.shape_cast %swap3A_346 : vector<1x16xf32> to vector<16xf32>
        %swap3A_348 = vector.shape_cast %mul3A_343 : vector<16xf32> to vector<1x16xf32>
        tpu.vector_store %arg20[%swap3A_344, %swap3A_345], %swap3A_348 {strides = array<i32>} : memref<40x144xf32, #tpu.memory_space<vmem>>, vector<1x16xf32>,
        %broadcast_in_dim3A_349 = arith.constant 3 : i32
        %broadcast_in_dim3A_350 = vector.broadcast %broadcast_in_dim3A_349 : i32 to vector<16xi32>
        %broadcast_in_dim3A_351 = vector.shape_cast %broadcast_in_dim3A_350 : vector<16xi32> to vector<16x1xi32>
        %gather3A_352 = vector.shape_cast %broadcast_in_dim3A_351 : vector<16x1xi32> to vector<16xi32>
        %gather3A_353 = tpu.dynamic_gather %exp3A[%gather3A_352] in [0] : vector<16xf32>, vector<16xi32> -> vector<16xf32>
        %get3A_354 = arith.index_cast %scan3A_281 : i32 to index
        %get3A_355 = arith.constant 48 : index
        %get3A_356 = tpu.vector_load %arg18[%get3A_354, %get3A_355] {strides = array<i32>} : memref<40x128xf32, #tpu.memory_space<vmem>>, vector<1x16xf32>,
        %get3A_357 = vector.shape_cast %get3A_356 : vector<1x16xf32> to vector<16xf32>
        %mul3A_358 = arith.mulf %gather3A_353, %get3A_357 : vector<16xf32>
        %swap3A_359 = arith.index_cast %scan3A_281 : i32 to index
        %swap3A_360 = arith.constant 48 : index
        %swap3A_361 = tpu.vector_load %arg20[%swap3A_359, %swap3A_360] {strides = array<i32>} : memref<40x144xf32, #tpu.memory_space<vmem>>, vector<1x16xf32>,
        %swap3A_362 = vector.shape_cast %swap3A_361 : vector<1x16xf32> to vector<16xf32>
        %swap3A_363 = vector.shape_cast %mul3A_358 : vector<16xf32> to vector<1x16xf32>
        tpu.vector_store %arg20[%swap3A_359, %swap3A_360], %swap3A_363 {strides = array<i32>} : memref<40x144xf32, #tpu.memory_space<vmem>>, vector<1x16xf32>,
        %broadcast_in_dim3A_364 = arith.constant 4 : i32
        %broadcast_in_dim3A_365 = vector.broadcast %broadcast_in_dim3A_364 : i32 to vector<16xi32>
        %broadcast_in_dim3A_366 = vector.shape_cast %broadcast_in_dim3A_365 : vector<16xi32> to vector<16x1xi32>
        %gather3A_367 = vector.shape_cast %broadcast_in_dim3A_366 : vector<16x1xi32> to vector<16xi32>
        %gather3A_368 = tpu.dynamic_gather %exp3A[%gather3A_367] in [0] : vector<16xf32>, vector<16xi32> -> vector<16xf32>
        %get3A_369 = arith.index_cast %scan3A_281 : i32 to index
        %get3A_370 = arith.constant 64 : index
        %get3A_371 = tpu.vector_load %arg18[%get3A_369, %get3A_370] {strides = array<i32>} : memref<40x128xf32, #tpu.memory_space<vmem>>, vector<1x16xf32>,
        %get3A_372 = vector.shape_cast %get3A_371 : vector<1x16xf32> to vector<16xf32>
        %mul3A_373 = arith.mulf %gather3A_368, %get3A_372 : vector<16xf32>
        %swap3A_374 = arith.index_cast %scan3A_281 : i32 to index
        %swap3A_375 = arith.constant 64 : index
        %swap3A_376 = tpu.vector_load %arg20[%swap3A_374, %swap3A_375] {strides = array<i32>} : memref<40x144xf32, #tpu.memory_space<vmem>>, vector<1x16xf32>,
        %swap3A_377 = vector.shape_cast %swap3A_376 : vector<1x16xf32> to vector<16xf32>
        %swap3A_378 = vector.shape_cast %mul3A_373 : vector<16xf32> to vector<1x16xf32>
        tpu.vector_store %arg20[%swap3A_374, %swap3A_375], %swap3A_378 {strides = array<i32>} : memref<40x144xf32, #tpu.memory_space<vmem>>, vector<1x16xf32>,
        %broadcast_in_dim3A_379 = arith.constant 5 : i32
        %broadcast_in_dim3A_380 = vector.broadcast %broadcast_in_dim3A_379 : i32 to vector<16xi32>
        %broadcast_in_dim3A_381 = vector.shape_cast %broadcast_in_dim3A_380 : vector<16xi32> to vector<16x1xi32>
        %gather3A_382 = vector.shape_cast %broadcast_in_dim3A_381 : vector<16x1xi32> to vector<16xi32>
        %gather3A_383 = tpu.dynamic_gather %exp3A[%gather3A_382] in [0] : vector<16xf32>, vector<16xi32> -> vector<16xf32>
        %get3A_384 = arith.index_cast %scan3A_281 : i32 to index
        %get3A_385 = arith.constant 80 : index
        %get3A_386 = tpu.vector_load %arg18[%get3A_384, %get3A_385] {strides = array<i32>} : memref<40x128xf32, #tpu.memory_space<vmem>>, vector<1x16xf32>,
        %get3A_387 = vector.shape_cast %get3A_386 : vector<1x16xf32> to vector<16xf32>
        %mul3A_388 = arith.mulf %gather3A_383, %get3A_387 : vector<16xf32>
        %swap3A_389 = arith.index_cast %scan3A_281 : i32 to index
        %swap3A_390 = arith.constant 80 : index
        %swap3A_391 = tpu.vector_load %arg20[%swap3A_389, %swap3A_390] {strides = array<i32>} : memref<40x144xf32, #tpu.memory_space<vmem>>, vector<1x16xf32>,
        %swap3A_392 = vector.shape_cast %swap3A_391 : vector<1x16xf32> to vector<16xf32>
        %swap3A_393 = vector.shape_cast %mul3A_388 : vector<16xf32> to vector<1x16xf32>
        tpu.vector_store %arg20[%swap3A_389, %swap3A_390], %swap3A_393 {strides = array<i32>} : memref<40x144xf32, #tpu.memory_space<vmem>>, vector<1x16xf32>,
        %broadcast_in_dim3A_394 = arith.constant 6 : i32
        %broadcast_in_dim3A_395 = vector.broadcast %broadcast_in_dim3A_394 : i32 to vector<16xi32>
        %broadcast_in_dim3A_396 = vector.shape_cast %broadcast_in_dim3A_395 : vector<16xi32> to vector<16x1xi32>
        %gather3A_397 = vector.shape_cast %broadcast_in_dim3A_396 : vector<16x1xi32> to vector<16xi32>
        %gather3A_398 = tpu.dynamic_gather %exp3A[%gather3A_397] in [0] : vector<16xf32>, vector<16xi32> -> vector<16xf32>
        %get3A_399 = arith.index_cast %scan3A_281 : i32 to index
        %get3A_400 = arith.constant 96 : index
        %get3A_401 = tpu.vector_load %arg18[%get3A_399, %get3A_400] {strides = array<i32>} : memref<40x128xf32, #tpu.memory_space<vmem>>, vector<1x16xf32>,
        %get3A_402 = vector.shape_cast %get3A_401 : vector<1x16xf32> to vector<16xf32>
        %mul3A_403 = arith.mulf %gather3A_398, %get3A_402 : vector<16xf32>
        %swap3A_404 = arith.index_cast %scan3A_281 : i32 to index
        %swap3A_405 = arith.constant 96 : index
        %swap3A_406 = tpu.vector_load %arg20[%swap3A_404, %swap3A_405] {strides = array<i32>} : memref<40x144xf32, #tpu.memory_space<vmem>>, vector<1x16xf32>,
        %swap3A_407 = vector.shape_cast %swap3A_406 : vector<1x16xf32> to vector<16xf32>
        %swap3A_408 = vector.shape_cast %mul3A_403 : vector<16xf32> to vector<1x16xf32>
        tpu.vector_store %arg20[%swap3A_404, %swap3A_405], %swap3A_408 {strides = array<i32>} : memref<40x144xf32, #tpu.memory_space<vmem>>, vector<1x16xf32>,
        %broadcast_in_dim3A_409 = arith.constant 7 : i32
        %broadcast_in_dim3A_410 = vector.broadcast %broadcast_in_dim3A_409 : i32 to vector<16xi32>
        %broadcast_in_dim3A_411 = vector.shape_cast %broadcast_in_dim3A_410 : vector<16xi32> to vector<16x1xi32>
        %gather3A_412 = vector.shape_cast %broadcast_in_dim3A_411 : vector<16x1xi32> to vector<16xi32>
        %gather3A_413 = tpu.dynamic_gather %exp3A[%gather3A_412] in [0] : vector<16xf32>, vector<16xi32> -> vector<16xf32>
        %get3A_414 = arith.index_cast %scan3A_281 : i32 to index
        %get3A_415 = arith.constant 112 : index
        %get3A_416 = tpu.vector_load %arg18[%get3A_414, %get3A_415] {strides = array<i32>} : memref<40x128xf32, #tpu.memory_space<vmem>>, vector<1x16xf32>,
        %get3A_417 = vector.shape_cast %get3A_416 : vector<1x16xf32> to vector<16xf32>
        %mul3A_418 = arith.mulf %gather3A_413, %get3A_417 : vector<16xf32>
        %swap3A_419 = arith.index_cast %scan3A_281 : i32 to index
        %swap3A_420 = arith.constant 112 : index
        %swap3A_421 = tpu.vector_load %arg20[%swap3A_419, %swap3A_420] {strides = array<i32>} : memref<40x144xf32, #tpu.memory_space<vmem>>, vector<1x16xf32>,
        %swap3A_422 = vector.shape_cast %swap3A_421 : vector<1x16xf32> to vector<16xf32>
        %swap3A_423 = vector.shape_cast %mul3A_418 : vector<16xf32> to vector<1x16xf32>
        tpu.vector_store %arg20[%swap3A_419, %swap3A_420], %swap3A_423 {strides = array<i32>} : memref<40x144xf32, #tpu.memory_space<vmem>>, vector<1x16xf32>,
        %scan3A_424 = arith.constant 0 : i32
        scf.yield %scan3A_424 : i32
      }
      %scan3A_196 = arith.constant 40 : i32
      %dma_wait3A_197 = arith.constant 0 : i32
      %dma_wait3A_198 = tpu.memref_slice %arg3[%dma_wait3A_197] : memref<320000xi32, #tpu.memory_space<hbm>> -> memref<40xi32, #tpu.memory_space<hbm>>
      %dma_wait3A_199 = arith.constant 0 : i32
      %dma_wait3A_200 = tpu.memref_slice %arg3[%dma_wait3A_199] : memref<320000xi32, #tpu.memory_space<hbm>> -> memref<40xi32, #tpu.memory_space<hbm>>
      tpu.wait_dma2 semaphore(%arg28 : memref<!tpu.dma_semaphore, #tpu.memory_space<semaphore_mem>>) src(%dma_wait3A_200 : memref<40xi32, #tpu.memory_space<hbm>>) dst(%arg12 : memref<40xi32, #tpu.memory_space<vmem>>)
      %dma_start3A_201 = arith.constant 0 : i32
      %dma_start3A_202 = arith.constant 0 : i32
      %dma_start3A_203 = tpu.memref_slice %arg7[%dma_start3A_201, %dma_start3A_202] : memref<10240x144xf32, #tpu.memory_space<vmem_shared>> -> memref<10240x144xf32, #tpu.memory_space<vmem_shared>>
      tpu.enqueue_indirect_dma source(%arg20 : memref<40x144xf32, #tpu.memory_space<vmem>>) target(%dma_start3A_203 : memref<10240x144xf32, #tpu.memory_space<vmem_shared>>) offsets(%arg12 : memref<40xi32, #tpu.memory_space<vmem>>) semaphore(%arg26 : memref<!tpu.dma_semaphore, #tpu.memory_space<semaphore_mem>>) {add = true}
      %add3A_204 = arith.constant 2 : i32
      %add3A_205 = arith.addi %mul3A_154, %add3A_204 : i32
      %min3A_206 = arith.constant 249 : i32
      %min3A_207 = arith.minsi %add3A_205, %min3A_206 : i32
      %mul3A_208 = arith.constant 40 : i32
      %mul3A_209 = arith.muli %min3A_207, %mul3A_208 : i32
      %add3A_210 = arith.addi %mul3A_80, %mul3A_209 : i32
      %dma_start3A_211 = tpu.memref_slice %arg2[%add3A_210] : memref<320000xi32, #tpu.memory_space<hbm>> -> memref<40xi32, #tpu.memory_space<hbm>>
      %dma_start3A_212 = tpu.memref_slice %arg2[%add3A_210] : memref<320000xi32, #tpu.memory_space<hbm>> -> memref<40xi32, #tpu.memory_space<hbm>>
      tpu.enqueue_dma source(%dma_start3A_212 : memref<40xi32, #tpu.memory_space<hbm>>) target(%arg8 : memref<40xi32, #tpu.memory_space<vmem>>) target_semaphore(%arg22 : memref<!tpu.dma_semaphore, #tpu.memory_space<semaphore_mem>>)
      %dma_start3A_213 = tpu.memref_slice %arg3[%add3A_210] : memref<320000xi32, #tpu.memory_space<hbm>> -> memref<40xi32, #tpu.memory_space<hbm>>
      %dma_start3A_214 = tpu.memref_slice %arg3[%add3A_210] : memref<320000xi32, #tpu.memory_space<hbm>> -> memref<40xi32, #tpu.memory_space<hbm>>
      tpu.enqueue_dma source(%dma_start3A_214 : memref<40xi32, #tpu.memory_space<hbm>>) target(%arg10 : memref<40xi32, #tpu.memory_space<vmem>>) target_semaphore(%arg22 : memref<!tpu.dma_semaphore, #tpu.memory_space<semaphore_mem>>)
      %dma_wait3A_215 = arith.constant 0 : i32
      %dma_wait3A_216 = arith.constant 0 : i32
      %dma_wait3A_217 = tpu.memref_slice %arg4[%dma_wait3A_215, %dma_wait3A_216] : memref<10000x128xf32, #tpu.memory_space<hbm>> -> memref<10000x128xf32, #tpu.memory_space<hbm>>
      tpu.wait_indirect_dma semaphore(%arg25 : memref<!tpu.dma_semaphore, #tpu.memory_space<semaphore_mem>>) src(%dma_wait3A_217 : memref<10000x128xf32, #tpu.memory_space<hbm>>) dst(%arg19 : memref<40x128xf32, #tpu.memory_space<vmem>>)
      %dma_wait3A_218 = arith.constant 0 : i32
      %dma_wait3A_219 = arith.constant 0 : i32
      %dma_wait3A_220 = tpu.memref_slice %arg5[%dma_wait3A_218, %dma_wait3A_219] : memref<10000x16xf32, #tpu.memory_space<hbm>> -> memref<10000x16xf32, #tpu.memory_space<hbm>>
      tpu.wait_indirect_dma semaphore(%arg25 : memref<!tpu.dma_semaphore, #tpu.memory_space<semaphore_mem>>) src(%dma_wait3A_220 : memref<10000x16xf32, #tpu.memory_space<hbm>>) dst(%arg15 : memref<40x16xf32, #tpu.memory_space<vmem>>)
      %dma_wait3A_221 = arith.constant 0 : i32
      %dma_wait3A_222 = arith.constant 0 : i32
      %dma_wait3A_223 = tpu.memref_slice %arg5[%dma_wait3A_221, %dma_wait3A_222] : memref<10000x16xf32, #tpu.memory_space<hbm>> -> memref<10000x16xf32, #tpu.memory_space<hbm>>
      tpu.wait_indirect_dma semaphore(%arg25 : memref<!tpu.dma_semaphore, #tpu.memory_space<semaphore_mem>>) src(%dma_wait3A_223 : memref<10000x16xf32, #tpu.memory_space<hbm>>) dst(%arg17 : memref<40x16xf32, #tpu.memory_space<vmem>>)
      %dma_wait3A_224 = arith.constant 0 : i32
      %dma_wait3A_225 = tpu.memref_slice %arg2[%dma_wait3A_224] : memref<320000xi32, #tpu.memory_space<hbm>> -> memref<40xi32, #tpu.memory_space<hbm>>
      %dma_wait3A_226 = arith.constant 0 : i32
      %dma_wait3A_227 = tpu.memref_slice %arg2[%dma_wait3A_226] : memref<320000xi32, #tpu.memory_space<hbm>> -> memref<40xi32, #tpu.memory_space<hbm>>
      tpu.wait_dma2 semaphore(%arg22 : memref<!tpu.dma_semaphore, #tpu.memory_space<semaphore_mem>>) src(%dma_wait3A_227 : memref<40xi32, #tpu.memory_space<hbm>>) dst(%arg8 : memref<40xi32, #tpu.memory_space<vmem>>)
      %dma_wait3A_228 = arith.constant 0 : i32
      %dma_wait3A_229 = tpu.memref_slice %arg3[%dma_wait3A_228] : memref<320000xi32, #tpu.memory_space<hbm>> -> memref<40xi32, #tpu.memory_space<hbm>>
      %dma_wait3A_230 = arith.constant 0 : i32
      %dma_wait3A_231 = tpu.memref_slice %arg3[%dma_wait3A_230] : memref<320000xi32, #tpu.memory_space<hbm>> -> memref<40xi32, #tpu.memory_space<hbm>>
      tpu.wait_dma2 semaphore(%arg22 : memref<!tpu.dma_semaphore, #tpu.memory_space<semaphore_mem>>) src(%dma_wait3A_231 : memref<40xi32, #tpu.memory_space<hbm>>) dst(%arg10 : memref<40xi32, #tpu.memory_space<vmem>>)
      %dma_start3A_232 = arith.constant 0 : i32
      %dma_start3A_233 = arith.constant 0 : i32
      %dma_start3A_234 = tpu.memref_slice %arg4[%dma_start3A_232, %dma_start3A_233] : memref<10000x128xf32, #tpu.memory_space<hbm>> -> memref<10000x128xf32, #tpu.memory_space<hbm>>
      tpu.enqueue_indirect_dma source(%dma_start3A_234 : memref<10000x128xf32, #tpu.memory_space<hbm>>) target(%arg18 : memref<40x128xf32, #tpu.memory_space<vmem>>) offsets(%arg8 : memref<40xi32, #tpu.memory_space<vmem>>) semaphore(%arg24 : memref<!tpu.dma_semaphore, #tpu.memory_space<semaphore_mem>>)
      %dma_start3A_235 = arith.constant 0 : i32
      %dma_start3A_236 = arith.constant 0 : i32
      %dma_start3A_237 = tpu.memref_slice %arg5[%dma_start3A_235, %dma_start3A_236] : memref<10000x16xf32, #tpu.memory_space<hbm>> -> memref<10000x16xf32, #tpu.memory_space<hbm>>
      tpu.enqueue_indirect_dma source(%dma_start3A_237 : memref<10000x16xf32, #tpu.memory_space<hbm>>) target(%arg14 : memref<40x16xf32, #tpu.memory_space<vmem>>) offsets(%arg8 : memref<40xi32, #tpu.memory_space<vmem>>) semaphore(%arg24 : memref<!tpu.dma_semaphore, #tpu.memory_space<semaphore_mem>>)
      %dma_start3A_238 = arith.constant 0 : i32
      %dma_start3A_239 = arith.constant 0 : i32
      %dma_start3A_240 = tpu.memref_slice %arg5[%dma_start3A_238, %dma_start3A_239] : memref<10000x16xf32, #tpu.memory_space<hbm>> -> memref<10000x16xf32, #tpu.memory_space<hbm>>
      tpu.enqueue_indirect_dma source(%dma_start3A_240 : memref<10000x16xf32, #tpu.memory_space<hbm>>) target(%arg16 : memref<40x16xf32, #tpu.memory_space<vmem>>) offsets(%arg10 : memref<40xi32, #tpu.memory_space<vmem>>) semaphore(%arg24 : memref<!tpu.dma_semaphore, #tpu.memory_space<semaphore_mem>>)
      %gt3A_241 = arith.constant 0 : i32
      %gt3A_242 = arith.cmpi sgt, %scan3A_151, %gt3A_241 : i32
      %convert_element_type3A_243 = arith.extui %gt3A_242 : i1 to i32
      %cond3A_244 = arith.constant 0 : i32
      %cond3A_245 = arith.cmpi ne, %convert_element_type3A_243, %cond3A_244 : i32
      scf.if %cond3A_245 {
        %dma_wait3A_281 = arith.constant 0 : i32
        %dma_wait3A_282 = arith.constant 0 : i32
        %dma_wait3A_283 = tpu.memref_slice %arg7[%dma_wait3A_281, %dma_wait3A_282] : memref<10240x144xf32, #tpu.memory_space<vmem_shared>> -> memref<10240x144xf32, #tpu.memory_space<vmem_shared>>
        tpu.wait_indirect_dma semaphore(%arg27 : memref<!tpu.dma_semaphore, #tpu.memory_space<semaphore_mem>>) src(%arg21 : memref<40x144xf32, #tpu.memory_space<vmem>>) dst(%dma_wait3A_283 : memref<10240x144xf32, #tpu.memory_space<vmem_shared>>)
      } else {
      }
      %add3A_246 = arith.constant 1 : i32
      %add3A_247 = arith.addi %mul3A_154, %add3A_246 : i32
      %min3A_248 = arith.constant 249 : i32
      %min3A_249 = arith.minsi %add3A_247, %min3A_248 : i32
      %mul3A_250 = arith.constant 40 : i32
      %mul3A_251 = arith.muli %min3A_249, %mul3A_250 : i32
      %add3A_252 = arith.addi %mul3A_80, %mul3A_251 : i32
      %dma_start3A_253 = tpu.memref_slice %arg3[%add3A_252] : memref<320000xi32, #tpu.memory_space<hbm>> -> memref<40xi32, #tpu.memory_space<hbm>>
      %dma_start3A_254 = tpu.memref_slice %arg3[%add3A_252] : memref<320000xi32, #tpu.memory_space<hbm>> -> memref<40xi32, #tpu.memory_space<hbm>>
      tpu.enqueue_dma source(%dma_start3A_254 : memref<40xi32, #tpu.memory_space<hbm>>) target(%arg13 : memref<40xi32, #tpu.memory_space<vmem>>) target_semaphore(%arg29 : memref<!tpu.dma_semaphore, #tpu.memory_space<semaphore_mem>>)
      %scan3A_255 = arith.constant 0 : i32
      %scan3A_256 = arith.constant 0 : i32
      %scan3A_257 = arith.constant 40 : i32
      %scan3A_258 = arith.addi %scan3A_256, %scan3A_257 : i32
      %scan3A_259 = arith.constant 1 : i32
      %scan3A_260 = scf.for %scan3A_281 = %scan3A_256 to %scan3A_258 step %scan3A_259 iter_args(%scan3A_282 = %scan3A_255) -> (i32)  : i32 {
        %get3A = arith.index_cast %scan3A_281 : i32 to index
        %get3A_283 = arith.constant 0 : index
        %get3A_284 = tpu.vector_load %arg15[%get3A, %get3A_283] {strides = array<i32>} : memref<40x16xf32, #tpu.memory_space<vmem>>, vector<1x16xf32>,
        %get3A_285 = vector.shape_cast %get3A_284 : vector<1x16xf32> to vector<16xf32>
        %get3A_286 = arith.index_cast %scan3A_281 : i32 to index
        %get3A_287 = arith.constant 0 : index
        %get3A_288 = tpu.vector_load %arg17[%get3A_286, %get3A_287] {strides = array<i32>} : memref<40x16xf32, #tpu.memory_space<vmem>>, vector<1x16xf32>,
        %get3A_289 = vector.shape_cast %get3A_288 : vector<1x16xf32> to vector<16xf32>
        %broadcast_in_dim3A_290 = vector.shape_cast %min3A_6 : vector<16xi32> to vector<16x1xi32>
        %gather3A = vector.shape_cast %broadcast_in_dim3A_290 : vector<16x1xi32> to vector<16xi32>
        %gather3A_291 = tpu.dynamic_gather %get3A_289[%gather3A] in [0] : vector<16xf32>, vector<16xi32> -> vector<16xf32>
        %add3A_292 = arith.addf %get3A_285, %gather3A_291 : vector<16xf32>
        %ge3A = arith.constant 0.000000e+00 : f32
        %ge3A_293 = vector.broadcast %ge3A : f32 to vector<16xf32>
        %ge3A_294 = arith.cmpf oge, %add3A_292, %ge3A_293 : vector<16xf32>
        %mul3A_295 = arith.constant 2.000000e-01 : f32
        %mul3A_296 = vector.broadcast %mul3A_295 : f32 to vector<16xf32>
        %mul3A_297 = arith.mulf %mul3A_296, %add3A_292 : vector<16xf32>
        %select_n3A = arith.select %ge3A_294, %add3A_292, %mul3A_297 : vector<16xi1>, vector<16xf32>
        %exp3A = math.exp %select_n3A : vector<16xf32>
        %jit3A = arith.constant 0.000000e+00 : f32
        %broadcast_in_dim3A_298 = vector.broadcast %jit3A : f32 to vector<16xf32>
        %select_n3A_299 = arith.select %lt3A_8, %exp3A, %broadcast_in_dim3A_298 : vector<16xi1>, vector<16xf32>
        %swap3A = arith.index_cast %scan3A_281 : i32 to index
        %swap3A_300 = arith.constant 128 : index
        %swap3A_301 = tpu.vector_load %arg21[%swap3A, %swap3A_300] {strides = array<i32>} : memref<40x144xf32, #tpu.memory_space<vmem>>, vector<1x16xf32>,
        %swap3A_302 = vector.shape_cast %swap3A_301 : vector<1x16xf32> to vector<16xf32>
        %swap3A_303 = vector.shape_cast %select_n3A_299 : vector<16xf32> to vector<1x16xf32>
        tpu.vector_store %arg21[%swap3A, %swap3A_300], %swap3A_303 {strides = array<i32>} : memref<40x144xf32, #tpu.memory_space<vmem>>, vector<1x16xf32>,
        %broadcast_in_dim3A_304 = arith.constant 0 : i32
        %broadcast_in_dim3A_305 = vector.broadcast %broadcast_in_dim3A_304 : i32 to vector<16xi32>
        %broadcast_in_dim3A_306 = vector.shape_cast %broadcast_in_dim3A_305 : vector<16xi32> to vector<16x1xi32>
        %gather3A_307 = vector.shape_cast %broadcast_in_dim3A_306 : vector<16x1xi32> to vector<16xi32>
        %gather3A_308 = tpu.dynamic_gather %exp3A[%gather3A_307] in [0] : vector<16xf32>, vector<16xi32> -> vector<16xf32>
        %get3A_309 = arith.index_cast %scan3A_281 : i32 to index
        %get3A_310 = arith.constant 0 : index
        %get3A_311 = tpu.vector_load %arg19[%get3A_309, %get3A_310] {strides = array<i32>} : memref<40x128xf32, #tpu.memory_space<vmem>>, vector<1x16xf32>,
        %get3A_312 = vector.shape_cast %get3A_311 : vector<1x16xf32> to vector<16xf32>
        %mul3A_313 = arith.mulf %gather3A_308, %get3A_312 : vector<16xf32>
        %swap3A_314 = arith.index_cast %scan3A_281 : i32 to index
        %swap3A_315 = arith.constant 0 : index
        %swap3A_316 = tpu.vector_load %arg21[%swap3A_314, %swap3A_315] {strides = array<i32>} : memref<40x144xf32, #tpu.memory_space<vmem>>, vector<1x16xf32>,
        %swap3A_317 = vector.shape_cast %swap3A_316 : vector<1x16xf32> to vector<16xf32>
        %swap3A_318 = vector.shape_cast %mul3A_313 : vector<16xf32> to vector<1x16xf32>
        tpu.vector_store %arg21[%swap3A_314, %swap3A_315], %swap3A_318 {strides = array<i32>} : memref<40x144xf32, #tpu.memory_space<vmem>>, vector<1x16xf32>,
        %broadcast_in_dim3A_319 = arith.constant 1 : i32
        %broadcast_in_dim3A_320 = vector.broadcast %broadcast_in_dim3A_319 : i32 to vector<16xi32>
        %broadcast_in_dim3A_321 = vector.shape_cast %broadcast_in_dim3A_320 : vector<16xi32> to vector<16x1xi32>
        %gather3A_322 = vector.shape_cast %broadcast_in_dim3A_321 : vector<16x1xi32> to vector<16xi32>
        %gather3A_323 = tpu.dynamic_gather %exp3A[%gather3A_322] in [0] : vector<16xf32>, vector<16xi32> -> vector<16xf32>
        %get3A_324 = arith.index_cast %scan3A_281 : i32 to index
        %get3A_325 = arith.constant 16 : index
        %get3A_326 = tpu.vector_load %arg19[%get3A_324, %get3A_325] {strides = array<i32>} : memref<40x128xf32, #tpu.memory_space<vmem>>, vector<1x16xf32>,
        %get3A_327 = vector.shape_cast %get3A_326 : vector<1x16xf32> to vector<16xf32>
        %mul3A_328 = arith.mulf %gather3A_323, %get3A_327 : vector<16xf32>
        %swap3A_329 = arith.index_cast %scan3A_281 : i32 to index
        %swap3A_330 = arith.constant 16 : index
        %swap3A_331 = tpu.vector_load %arg21[%swap3A_329, %swap3A_330] {strides = array<i32>} : memref<40x144xf32, #tpu.memory_space<vmem>>, vector<1x16xf32>,
        %swap3A_332 = vector.shape_cast %swap3A_331 : vector<1x16xf32> to vector<16xf32>
        %swap3A_333 = vector.shape_cast %mul3A_328 : vector<16xf32> to vector<1x16xf32>
        tpu.vector_store %arg21[%swap3A_329, %swap3A_330], %swap3A_333 {strides = array<i32>} : memref<40x144xf32, #tpu.memory_space<vmem>>, vector<1x16xf32>,
        %broadcast_in_dim3A_334 = arith.constant 2 : i32
        %broadcast_in_dim3A_335 = vector.broadcast %broadcast_in_dim3A_334 : i32 to vector<16xi32>
        %broadcast_in_dim3A_336 = vector.shape_cast %broadcast_in_dim3A_335 : vector<16xi32> to vector<16x1xi32>
        %gather3A_337 = vector.shape_cast %broadcast_in_dim3A_336 : vector<16x1xi32> to vector<16xi32>
        %gather3A_338 = tpu.dynamic_gather %exp3A[%gather3A_337] in [0] : vector<16xf32>, vector<16xi32> -> vector<16xf32>
        %get3A_339 = arith.index_cast %scan3A_281 : i32 to index
        %get3A_340 = arith.constant 32 : index
        %get3A_341 = tpu.vector_load %arg19[%get3A_339, %get3A_340] {strides = array<i32>} : memref<40x128xf32, #tpu.memory_space<vmem>>, vector<1x16xf32>,
        %get3A_342 = vector.shape_cast %get3A_341 : vector<1x16xf32> to vector<16xf32>
        %mul3A_343 = arith.mulf %gather3A_338, %get3A_342 : vector<16xf32>
        %swap3A_344 = arith.index_cast %scan3A_281 : i32 to index
        %swap3A_345 = arith.constant 32 : index
        %swap3A_346 = tpu.vector_load %arg21[%swap3A_344, %swap3A_345] {strides = array<i32>} : memref<40x144xf32, #tpu.memory_space<vmem>>, vector<1x16xf32>,
        %swap3A_347 = vector.shape_cast %swap3A_346 : vector<1x16xf32> to vector<16xf32>
        %swap3A_348 = vector.shape_cast %mul3A_343 : vector<16xf32> to vector<1x16xf32>
        tpu.vector_store %arg21[%swap3A_344, %swap3A_345], %swap3A_348 {strides = array<i32>} : memref<40x144xf32, #tpu.memory_space<vmem>>, vector<1x16xf32>,
        %broadcast_in_dim3A_349 = arith.constant 3 : i32
        %broadcast_in_dim3A_350 = vector.broadcast %broadcast_in_dim3A_349 : i32 to vector<16xi32>
        %broadcast_in_dim3A_351 = vector.shape_cast %broadcast_in_dim3A_350 : vector<16xi32> to vector<16x1xi32>
        %gather3A_352 = vector.shape_cast %broadcast_in_dim3A_351 : vector<16x1xi32> to vector<16xi32>
        %gather3A_353 = tpu.dynamic_gather %exp3A[%gather3A_352] in [0] : vector<16xf32>, vector<16xi32> -> vector<16xf32>
        %get3A_354 = arith.index_cast %scan3A_281 : i32 to index
        %get3A_355 = arith.constant 48 : index
        %get3A_356 = tpu.vector_load %arg19[%get3A_354, %get3A_355] {strides = array<i32>} : memref<40x128xf32, #tpu.memory_space<vmem>>, vector<1x16xf32>,
        %get3A_357 = vector.shape_cast %get3A_356 : vector<1x16xf32> to vector<16xf32>
        %mul3A_358 = arith.mulf %gather3A_353, %get3A_357 : vector<16xf32>
        %swap3A_359 = arith.index_cast %scan3A_281 : i32 to index
        %swap3A_360 = arith.constant 48 : index
        %swap3A_361 = tpu.vector_load %arg21[%swap3A_359, %swap3A_360] {strides = array<i32>} : memref<40x144xf32, #tpu.memory_space<vmem>>, vector<1x16xf32>,
        %swap3A_362 = vector.shape_cast %swap3A_361 : vector<1x16xf32> to vector<16xf32>
        %swap3A_363 = vector.shape_cast %mul3A_358 : vector<16xf32> to vector<1x16xf32>
        tpu.vector_store %arg21[%swap3A_359, %swap3A_360], %swap3A_363 {strides = array<i32>} : memref<40x144xf32, #tpu.memory_space<vmem>>, vector<1x16xf32>,
        %broadcast_in_dim3A_364 = arith.constant 4 : i32
        %broadcast_in_dim3A_365 = vector.broadcast %broadcast_in_dim3A_364 : i32 to vector<16xi32>
        %broadcast_in_dim3A_366 = vector.shape_cast %broadcast_in_dim3A_365 : vector<16xi32> to vector<16x1xi32>
        %gather3A_367 = vector.shape_cast %broadcast_in_dim3A_366 : vector<16x1xi32> to vector<16xi32>
        %gather3A_368 = tpu.dynamic_gather %exp3A[%gather3A_367] in [0] : vector<16xf32>, vector<16xi32> -> vector<16xf32>
        %get3A_369 = arith.index_cast %scan3A_281 : i32 to index
        %get3A_370 = arith.constant 64 : index
        %get3A_371 = tpu.vector_load %arg19[%get3A_369, %get3A_370] {strides = array<i32>} : memref<40x128xf32, #tpu.memory_space<vmem>>, vector<1x16xf32>,
        %get3A_372 = vector.shape_cast %get3A_371 : vector<1x16xf32> to vector<16xf32>
        %mul3A_373 = arith.mulf %gather3A_368, %get3A_372 : vector<16xf32>
        %swap3A_374 = arith.index_cast %scan3A_281 : i32 to index
        %swap3A_375 = arith.constant 64 : index
        %swap3A_376 = tpu.vector_load %arg21[%swap3A_374, %swap3A_375] {strides = array<i32>} : memref<40x144xf32, #tpu.memory_space<vmem>>, vector<1x16xf32>,
        %swap3A_377 = vector.shape_cast %swap3A_376 : vector<1x16xf32> to vector<16xf32>
        %swap3A_378 = vector.shape_cast %mul3A_373 : vector<16xf32> to vector<1x16xf32>
        tpu.vector_store %arg21[%swap3A_374, %swap3A_375], %swap3A_378 {strides = array<i32>} : memref<40x144xf32, #tpu.memory_space<vmem>>, vector<1x16xf32>,
        %broadcast_in_dim3A_379 = arith.constant 5 : i32
        %broadcast_in_dim3A_380 = vector.broadcast %broadcast_in_dim3A_379 : i32 to vector<16xi32>
        %broadcast_in_dim3A_381 = vector.shape_cast %broadcast_in_dim3A_380 : vector<16xi32> to vector<16x1xi32>
        %gather3A_382 = vector.shape_cast %broadcast_in_dim3A_381 : vector<16x1xi32> to vector<16xi32>
        %gather3A_383 = tpu.dynamic_gather %exp3A[%gather3A_382] in [0] : vector<16xf32>, vector<16xi32> -> vector<16xf32>
        %get3A_384 = arith.index_cast %scan3A_281 : i32 to index
        %get3A_385 = arith.constant 80 : index
        %get3A_386 = tpu.vector_load %arg19[%get3A_384, %get3A_385] {strides = array<i32>} : memref<40x128xf32, #tpu.memory_space<vmem>>, vector<1x16xf32>,
        %get3A_387 = vector.shape_cast %get3A_386 : vector<1x16xf32> to vector<16xf32>
        %mul3A_388 = arith.mulf %gather3A_383, %get3A_387 : vector<16xf32>
        %swap3A_389 = arith.index_cast %scan3A_281 : i32 to index
        %swap3A_390 = arith.constant 80 : index
        %swap3A_391 = tpu.vector_load %arg21[%swap3A_389, %swap3A_390] {strides = array<i32>} : memref<40x144xf32, #tpu.memory_space<vmem>>, vector<1x16xf32>,
        %swap3A_392 = vector.shape_cast %swap3A_391 : vector<1x16xf32> to vector<16xf32>
        %swap3A_393 = vector.shape_cast %mul3A_388 : vector<16xf32> to vector<1x16xf32>
        tpu.vector_store %arg21[%swap3A_389, %swap3A_390], %swap3A_393 {strides = array<i32>} : memref<40x144xf32, #tpu.memory_space<vmem>>, vector<1x16xf32>,
        %broadcast_in_dim3A_394 = arith.constant 6 : i32
        %broadcast_in_dim3A_395 = vector.broadcast %broadcast_in_dim3A_394 : i32 to vector<16xi32>
        %broadcast_in_dim3A_396 = vector.shape_cast %broadcast_in_dim3A_395 : vector<16xi32> to vector<16x1xi32>
        %gather3A_397 = vector.shape_cast %broadcast_in_dim3A_396 : vector<16x1xi32> to vector<16xi32>
        %gather3A_398 = tpu.dynamic_gather %exp3A[%gather3A_397] in [0] : vector<16xf32>, vector<16xi32> -> vector<16xf32>
        %get3A_399 = arith.index_cast %scan3A_281 : i32 to index
        %get3A_400 = arith.constant 96 : index
        %get3A_401 = tpu.vector_load %arg19[%get3A_399, %get3A_400] {strides = array<i32>} : memref<40x128xf32, #tpu.memory_space<vmem>>, vector<1x16xf32>,
        %get3A_402 = vector.shape_cast %get3A_401 : vector<1x16xf32> to vector<16xf32>
        %mul3A_403 = arith.mulf %gather3A_398, %get3A_402 : vector<16xf32>
        %swap3A_404 = arith.index_cast %scan3A_281 : i32 to index
        %swap3A_405 = arith.constant 96 : index
        %swap3A_406 = tpu.vector_load %arg21[%swap3A_404, %swap3A_405] {strides = array<i32>} : memref<40x144xf32, #tpu.memory_space<vmem>>, vector<1x16xf32>,
        %swap3A_407 = vector.shape_cast %swap3A_406 : vector<1x16xf32> to vector<16xf32>
        %swap3A_408 = vector.shape_cast %mul3A_403 : vector<16xf32> to vector<1x16xf32>
        tpu.vector_store %arg21[%swap3A_404, %swap3A_405], %swap3A_408 {strides = array<i32>} : memref<40x144xf32, #tpu.memory_space<vmem>>, vector<1x16xf32>,
        %broadcast_in_dim3A_409 = arith.constant 7 : i32
        %broadcast_in_dim3A_410 = vector.broadcast %broadcast_in_dim3A_409 : i32 to vector<16xi32>
        %broadcast_in_dim3A_411 = vector.shape_cast %broadcast_in_dim3A_410 : vector<16xi32> to vector<16x1xi32>
        %gather3A_412 = vector.shape_cast %broadcast_in_dim3A_411 : vector<16x1xi32> to vector<16xi32>
        %gather3A_413 = tpu.dynamic_gather %exp3A[%gather3A_412] in [0] : vector<16xf32>, vector<16xi32> -> vector<16xf32>
        %get3A_414 = arith.index_cast %scan3A_281 : i32 to index
        %get3A_415 = arith.constant 112 : index
        %get3A_416 = tpu.vector_load %arg19[%get3A_414, %get3A_415] {strides = array<i32>} : memref<40x128xf32, #tpu.memory_space<vmem>>, vector<1x16xf32>,
        %get3A_417 = vector.shape_cast %get3A_416 : vector<1x16xf32> to vector<16xf32>
        %mul3A_418 = arith.mulf %gather3A_413, %get3A_417 : vector<16xf32>
        %swap3A_419 = arith.index_cast %scan3A_281 : i32 to index
        %swap3A_420 = arith.constant 112 : index
        %swap3A_421 = tpu.vector_load %arg21[%swap3A_419, %swap3A_420] {strides = array<i32>} : memref<40x144xf32, #tpu.memory_space<vmem>>, vector<1x16xf32>,
        %swap3A_422 = vector.shape_cast %swap3A_421 : vector<1x16xf32> to vector<16xf32>
        %swap3A_423 = vector.shape_cast %mul3A_418 : vector<16xf32> to vector<1x16xf32>
        tpu.vector_store %arg21[%swap3A_419, %swap3A_420], %swap3A_423 {strides = array<i32>} : memref<40x144xf32, #tpu.memory_space<vmem>>, vector<1x16xf32>,
        %scan3A_424 = arith.constant 0 : i32
        scf.yield %scan3A_424 : i32
      }
      %scan3A_261 = arith.constant 40 : i32
      %dma_wait3A_262 = arith.constant 0 : i32
      %dma_wait3A_263 = tpu.memref_slice %arg3[%dma_wait3A_262] : memref<320000xi32, #tpu.memory_space<hbm>> -> memref<40xi32, #tpu.memory_space<hbm>>
      %dma_wait3A_264 = arith.constant 0 : i32
      %dma_wait3A_265 = tpu.memref_slice %arg3[%dma_wait3A_264] : memref<320000xi32, #tpu.memory_space<hbm>> -> memref<40xi32, #tpu.memory_space<hbm>>
      tpu.wait_dma2 semaphore(%arg29 : memref<!tpu.dma_semaphore, #tpu.memory_space<semaphore_mem>>) src(%dma_wait3A_265 : memref<40xi32, #tpu.memory_space<hbm>>) dst(%arg13 : memref<40xi32, #tpu.memory_space<vmem>>)
      %dma_start3A_266 = arith.constant 0 : i32
      %dma_start3A_267 = arith.constant 0 : i32
      %dma_start3A_268 = tpu.memref_slice %arg7[%dma_start3A_266, %dma_start3A_267] : memref<10240x144xf32, #tpu.memory_space<vmem_shared>> -> memref<10240x144xf32, #tpu.memory_space<vmem_shared>>
      tpu.enqueue_indirect_dma source(%arg21 : memref<40x144xf32, #tpu.memory_space<vmem>>) target(%dma_start3A_268 : memref<10240x144xf32, #tpu.memory_space<vmem_shared>>) offsets(%arg13 : memref<40xi32, #tpu.memory_space<vmem>>) semaphore(%arg27 : memref<!tpu.dma_semaphore, #tpu.memory_space<semaphore_mem>>) {add = true}
      %add3A_269 = arith.constant 3 : i32
      %add3A_270 = arith.addi %mul3A_154, %add3A_269 : i32
      %min3A_271 = arith.constant 249 : i32
      %min3A_272 = arith.minsi %add3A_270, %min3A_271 : i32
      %mul3A_273 = arith.constant 40 : i32
      %mul3A_274 = arith.muli %min3A_272, %mul3A_273 : i32
      %add3A_275 = arith.addi %mul3A_80, %mul3A_274 : i32
      %dma_start3A_276 = tpu.memref_slice %arg2[%add3A_275] : memref<320000xi32, #tpu.memory_space<hbm>> -> memref<40xi32, #tpu.memory_space<hbm>>
      %dma_start3A_277 = tpu.memref_slice %arg2[%add3A_275] : memref<320000xi32, #tpu.memory_space<hbm>> -> memref<40xi32, #tpu.memory_space<hbm>>
      tpu.enqueue_dma source(%dma_start3A_277 : memref<40xi32, #tpu.memory_space<hbm>>) target(%arg9 : memref<40xi32, #tpu.memory_space<vmem>>) target_semaphore(%arg23 : memref<!tpu.dma_semaphore, #tpu.memory_space<semaphore_mem>>)
      %dma_start3A_278 = tpu.memref_slice %arg3[%add3A_275] : memref<320000xi32, #tpu.memory_space<hbm>> -> memref<40xi32, #tpu.memory_space<hbm>>
      %dma_start3A_279 = tpu.memref_slice %arg3[%add3A_275] : memref<320000xi32, #tpu.memory_space<hbm>> -> memref<40xi32, #tpu.memory_space<hbm>>
      tpu.enqueue_dma source(%dma_start3A_279 : memref<40xi32, #tpu.memory_space<hbm>>) target(%arg11 : memref<40xi32, #tpu.memory_space<vmem>>) target_semaphore(%arg23 : memref<!tpu.dma_semaphore, #tpu.memory_space<semaphore_mem>>)
      %scan3A_280 = arith.constant 0 : i32
      scf.yield %scan3A_280 : i32
    }
    %scan3A_122 = arith.constant 125 : i32
    %dma_wait3A_123 = arith.constant 0 : i32
    %dma_wait3A_124 = arith.constant 0 : i32
    %dma_wait3A_125 = tpu.memref_slice %arg4[%dma_wait3A_123, %dma_wait3A_124] : memref<10000x128xf32, #tpu.memory_space<hbm>> -> memref<10000x128xf32, #tpu.memory_space<hbm>>
    tpu.wait_indirect_dma semaphore(%arg24 : memref<!tpu.dma_semaphore, #tpu.memory_space<semaphore_mem>>) src(%dma_wait3A_125 : memref<10000x128xf32, #tpu.memory_space<hbm>>) dst(%arg18 : memref<40x128xf32, #tpu.memory_space<vmem>>)
    %dma_wait3A_126 = arith.constant 0 : i32
    %dma_wait3A_127 = arith.constant 0 : i32
    %dma_wait3A_128 = tpu.memref_slice %arg5[%dma_wait3A_126, %dma_wait3A_127] : memref<10000x16xf32, #tpu.memory_space<hbm>> -> memref<10000x16xf32, #tpu.memory_space<hbm>>
    tpu.wait_indirect_dma semaphore(%arg24 : memref<!tpu.dma_semaphore, #tpu.memory_space<semaphore_mem>>) src(%dma_wait3A_128 : memref<10000x16xf32, #tpu.memory_space<hbm>>) dst(%arg14 : memref<40x16xf32, #tpu.memory_space<vmem>>)
    %dma_wait3A_129 = arith.constant 0 : i32
    %dma_wait3A_130 = arith.constant 0 : i32
    %dma_wait3A_131 = tpu.memref_slice %arg5[%dma_wait3A_129, %dma_wait3A_130] : memref<10000x16xf32, #tpu.memory_space<hbm>> -> memref<10000x16xf32, #tpu.memory_space<hbm>>
    tpu.wait_indirect_dma semaphore(%arg24 : memref<!tpu.dma_semaphore, #tpu.memory_space<semaphore_mem>>) src(%dma_wait3A_131 : memref<10000x16xf32, #tpu.memory_space<hbm>>) dst(%arg16 : memref<40x16xf32, #tpu.memory_space<vmem>>)
    %dma_wait3A_132 = arith.constant 0 : i32
    %dma_wait3A_133 = tpu.memref_slice %arg2[%dma_wait3A_132] : memref<320000xi32, #tpu.memory_space<hbm>> -> memref<40xi32, #tpu.memory_space<hbm>>
    %dma_wait3A_134 = arith.constant 0 : i32
    %dma_wait3A_135 = tpu.memref_slice %arg2[%dma_wait3A_134] : memref<320000xi32, #tpu.memory_space<hbm>> -> memref<40xi32, #tpu.memory_space<hbm>>
    tpu.wait_dma2 semaphore(%arg23 : memref<!tpu.dma_semaphore, #tpu.memory_space<semaphore_mem>>) src(%dma_wait3A_135 : memref<40xi32, #tpu.memory_space<hbm>>) dst(%arg9 : memref<40xi32, #tpu.memory_space<vmem>>)
    %dma_wait3A_136 = arith.constant 0 : i32
    %dma_wait3A_137 = tpu.memref_slice %arg3[%dma_wait3A_136] : memref<320000xi32, #tpu.memory_space<hbm>> -> memref<40xi32, #tpu.memory_space<hbm>>
    %dma_wait3A_138 = arith.constant 0 : i32
    %dma_wait3A_139 = tpu.memref_slice %arg3[%dma_wait3A_138] : memref<320000xi32, #tpu.memory_space<hbm>> -> memref<40xi32, #tpu.memory_space<hbm>>
    tpu.wait_dma2 semaphore(%arg23 : memref<!tpu.dma_semaphore, #tpu.memory_space<semaphore_mem>>) src(%dma_wait3A_139 : memref<40xi32, #tpu.memory_space<hbm>>) dst(%arg11 : memref<40xi32, #tpu.memory_space<vmem>>)
    %dma_wait3A_140 = arith.constant 0 : i32
    %dma_wait3A_141 = arith.constant 0 : i32
    %dma_wait3A_142 = tpu.memref_slice %arg7[%dma_wait3A_140, %dma_wait3A_141] : memref<10240x144xf32, #tpu.memory_space<vmem_shared>> -> memref<10240x144xf32, #tpu.memory_space<vmem_shared>>
    tpu.wait_indirect_dma semaphore(%arg26 : memref<!tpu.dma_semaphore, #tpu.memory_space<semaphore_mem>>) src(%arg20 : memref<40x144xf32, #tpu.memory_space<vmem>>) dst(%dma_wait3A_142 : memref<10240x144xf32, #tpu.memory_space<vmem_shared>>)
    %dma_wait3A_143 = arith.constant 0 : i32
    %dma_wait3A_144 = arith.constant 0 : i32
    %dma_wait3A_145 = tpu.memref_slice %arg7[%dma_wait3A_143, %dma_wait3A_144] : memref<10240x144xf32, #tpu.memory_space<vmem_shared>> -> memref<10240x144xf32, #tpu.memory_space<vmem_shared>>
    tpu.wait_indirect_dma semaphore(%arg27 : memref<!tpu.dma_semaphore, #tpu.memory_space<semaphore_mem>>) src(%arg21 : memref<40x144xf32, #tpu.memory_space<vmem>>) dst(%dma_wait3A_145 : memref<10240x144xf32, #tpu.memory_space<vmem_shared>>)
    %barrier3A_146 = arith.constant 0 : index
    tpu.barrier barrier_id(%barrier3A_146)
    %mul3A_147 = arith.constant 640 : i32
    %mul3A_148 = arith.muli %arg1, %mul3A_147 : i32
    %mul3A_149 = arith.constant 640 : i32
    %mul3A_150 = arith.muli %arg1, %mul3A_149 : i32
    "tpu.region"() ({
      %run_scoped3A = tpu.sem_alloc : memref<!tpu.dma_semaphore, #tpu.memory_space<semaphore_mem>>
      %dma_start3A_151 = arith.constant 0 : i32
      %dma_start3A_152 = tpu.memref_slice %arg6[%arg0, %mul3A_150, %dma_start3A_151] : memref<2x10240x144xf32, #tpu.memory_space<hbm>> -> memref<1x640x144xf32, #tpu.memory_space<hbm>>
      %dma_start3A_153 = tpu.memref_squeeze %dma_start3A_152 : memref<1x640x144xf32, #tpu.memory_space<hbm>> -> memref<640x144xf32, #tpu.memory_space<hbm>>
      %dma_start3A_154 = arith.constant 0 : i32
      %dma_start3A_155 = tpu.memref_slice %arg7[%mul3A_148, %dma_start3A_154] : memref<10240x144xf32, #tpu.memory_space<vmem_shared>> -> memref<640x144xf32, #tpu.memory_space<vmem_shared>>
      tpu.enqueue_dma source(%dma_start3A_155 : memref<640x144xf32, #tpu.memory_space<vmem_shared>>) target(%dma_start3A_153 : memref<640x144xf32, #tpu.memory_space<hbm>>) target_semaphore(%run_scoped3A : memref<!tpu.dma_semaphore, #tpu.memory_space<semaphore_mem>>)
      %dma_wait3A_156 = arith.constant 0 : i32
      %dma_wait3A_157 = tpu.memref_slice %arg6[%arg0, %mul3A_150, %dma_wait3A_156] : memref<2x10240x144xf32, #tpu.memory_space<hbm>> -> memref<1x640x144xf32, #tpu.memory_space<hbm>>
      %dma_wait3A_158 = tpu.memref_squeeze %dma_wait3A_157 : memref<1x640x144xf32, #tpu.memory_space<hbm>> -> memref<640x144xf32, #tpu.memory_space<hbm>>
      %dma_wait3A_159 = arith.constant 0 : i32
      %dma_wait3A_160 = tpu.memref_slice %arg7[%mul3A_148, %dma_wait3A_159] : memref<10240x144xf32, #tpu.memory_space<vmem_shared>> -> memref<640x144xf32, #tpu.memory_space<vmem_shared>>
      tpu.wait_dma2 semaphore(%run_scoped3A : memref<!tpu.dma_semaphore, #tpu.memory_space<semaphore_mem>>) src(%dma_wait3A_160 : memref<640x144xf32, #tpu.memory_space<vmem_shared>>) dst(%dma_wait3A_158 : memref<640x144xf32, #tpu.memory_space<hbm>>)
      tpu.yield
    }) : () -> ()
    return
  }
}

module attributes {stable_mosaic.version = 14 : i64} {
  func.func @body(%arg0: i32, %arg1: memref<1000x128xf32, #tpu.memory_space<vmem>>, %arg2: memref<128x128xf32, #tpu.memory_space<vmem>>, %arg3: memref<128x16xf32, #tpu.memory_space<vmem>>, %arg4: memref<1000x128xf32, #tpu.memory_space<vmem>>, %arg5: memref<1000x16xf32, #tpu.memory_space<vmem>>) attributes {dimension_semantics = [#tpu.dimension_semantics<arbitrary>], iteration_bounds = array<i64: 10>, scalar_prefetch = 0 : i64, scratch_operands = 0 : i64, tpu.core_type = #tpu.core_type<tc>, window_params = [{transform_indices = @transform_0, window_bounds = array<i64: 1000, 128>}, {pipeline_mode = #tpu.pipeline_mode<synchronous>, transform_indices = @transform_1, window_bounds = array<i64: 128, 128>}, {pipeline_mode = #tpu.pipeline_mode<synchronous>, transform_indices = @transform_2, window_bounds = array<i64: 128, 16>}, {transform_indices = @transform_3, window_bounds = array<i64: 1000, 128>}, {transform_indices = @transform_4, window_bounds = array<i64: 1000, 16>}]} {
    %get3A = arith.constant 0 : index
    %get3A_0 = arith.constant 0 : index
    %get3A_1 = vector.load %arg1[%get3A, %get3A_0] : memref<1000x128xf32, #tpu.memory_space<vmem>>, vector<1000x128xf32>
    %get3A_2 = arith.constant 0 : index
    %get3A_3 = arith.constant 0 : index
    %get3A_4 = vector.load %arg2[%get3A_2, %get3A_3] : memref<128x128xf32, #tpu.memory_space<vmem>>, vector<128x128xf32>
    %dot_general3A = arith.constant dense<0.000000e+00> : vector<1000x128xf32>
    %dot_general3A_5 = tpu.matmul %get3A_1, %get3A_4, %dot_general3A {dimension_numbers = #tpu.dot_dimension_numbers<[1], [0], [0], [1], [0, 0, 1, 1], [], []>, transpose_lhs_hint = false} : vector<1000x128xf32>, vector<128x128xf32>, vector<1000x128xf32> -> vector<1000x128xf32>
    %swap3A = arith.constant 0 : index
    %swap3A_6 = arith.constant 0 : index
    %swap3A_7 = vector.load %arg4[%swap3A, %swap3A_6] : memref<1000x128xf32, #tpu.memory_space<vmem>>, vector<1000x128xf32>
    tpu.vector_store %arg4[%swap3A, %swap3A_6], %dot_general3A_5 {strides = array<i32>} : memref<1000x128xf32, #tpu.memory_space<vmem>>, vector<1000x128xf32>,
    %get3A_8 = arith.constant 0 : index
    %get3A_9 = arith.constant 0 : index
    %get3A_10 = vector.load %arg3[%get3A_8, %get3A_9] : memref<128x16xf32, #tpu.memory_space<vmem>>, vector<128x16xf32>
    %dot_general3A_11 = arith.constant dense<0.000000e+00> : vector<1000x16xf32>
    %dot_general3A_12 = tpu.matmul %dot_general3A_5, %get3A_10, %dot_general3A_11 {dimension_numbers = #tpu.dot_dimension_numbers<[1], [0], [0], [1], [0, 0, 1, 1], [], []>, transpose_lhs_hint = false} : vector<1000x128xf32>, vector<128x16xf32>, vector<1000x16xf32> -> vector<1000x16xf32>
    %swap3A_13 = arith.constant 0 : index
    %swap3A_14 = arith.constant 0 : index
    %swap3A_15 = vector.load %arg5[%swap3A_13, %swap3A_14] : memref<1000x16xf32, #tpu.memory_space<vmem>>, vector<1000x16xf32>
    tpu.vector_store %arg5[%swap3A_13, %swap3A_14], %dot_general3A_12 {strides = array<i32>} : memref<1000x16xf32, #tpu.memory_space<vmem>>, vector<1000x16xf32>,
    return
  }
  func.func @transform_0(%arg0: i32) -> (i32, i32) {
    %c0_i32 = arith.constant 0 : i32
    %c0_i32_0 = arith.constant 0 : i32
    return %arg0, %c0_i32 : i32, i32
  }
  func.func @transform_1(%arg0: i32) -> (i32, i32) {
    %c0_i32 = arith.constant 0 : i32
    %c0_i32_0 = arith.constant 0 : i32
    %c0_i32_1 = arith.constant 0 : i32
    return %c0_i32, %c0_i32_0 : i32, i32
  }
  func.func @transform_2(%arg0: i32) -> (i32, i32) {
    %c0_i32 = arith.constant 0 : i32
    %c0_i32_0 = arith.constant 0 : i32
    %c0_i32_1 = arith.constant 0 : i32
    return %c0_i32, %c0_i32_0 : i32, i32
  }
  func.func @transform_3(%arg0: i32) -> (i32, i32) {
    %c0_i32 = arith.constant 0 : i32
    %c0_i32_0 = arith.constant 0 : i32
    return %arg0, %c0_i32 : i32, i32
  }
  func.func @transform_4(%arg0: i32) -> (i32, i32) {
    %c0_i32 = arith.constant 0 : i32
    %c0_i32_0 = arith.constant 0 : i32
    return %arg0, %c0_i32 : i32, i32
  }
}

module attributes {stable_mosaic.version = 14 : i64} {
  func.func @body(%arg0: i32, %arg1: memref<1000x144xf32, #tpu.memory_space<vmem>>, %arg2: memref<1000x144xf32, #tpu.memory_space<vmem>>, %arg3: memref<1000x128xf32, #tpu.memory_space<vmem>>, %arg4: memref<1000x16xf32, #tpu.memory_space<vmem>>, %arg5: memref<1x128xf32, #tpu.memory_space<vmem>>, %arg6: memref<1000x128xf32, #tpu.memory_space<vmem>>) attributes {dimension_semantics = [#tpu.dimension_semantics<arbitrary>], iteration_bounds = array<i64: 10>, scalar_prefetch = 0 : i64, scratch_operands = 0 : i64, tpu.core_type = #tpu.core_type<tc>, window_params = [{transform_indices = @transform_0, window_bounds = array<i64: 1000, 144>}, {transform_indices = @transform_1, window_bounds = array<i64: 1000, 144>}, {transform_indices = @transform_2, window_bounds = array<i64: 1000, 128>}, {transform_indices = @transform_3, window_bounds = array<i64: 1000, 16>}, {pipeline_mode = #tpu.pipeline_mode<synchronous>, transform_indices = @transform_4, window_bounds = array<i64: 1, 128>}, {transform_indices = @transform_5, window_bounds = array<i64: 1000, 128>}]} {
    %get3A = arith.constant 0 : index
    %get3A_0 = arith.constant 0 : index
    %get3A_1 = vector.load %arg1[%get3A, %get3A_0] : memref<1000x144xf32, #tpu.memory_space<vmem>>, vector<1000x144xf32>
    %get3A_2 = arith.constant 0 : index
    %get3A_3 = arith.constant 0 : index
    %get3A_4 = vector.load %arg2[%get3A_2, %get3A_3] : memref<1000x144xf32, #tpu.memory_space<vmem>>, vector<1000x144xf32>
    %get3A_5 = arith.constant 0 : index
    %get3A_6 = arith.constant 0 : index
    %get3A_7 = vector.load %arg4[%get3A_5, %get3A_6] : memref<1000x16xf32, #tpu.memory_space<vmem>>, vector<1000x16xf32>
    %get3A_8 = arith.constant 0 : index
    %get3A_9 = arith.constant 0 : index
    %get3A_10 = vector.load %arg3[%get3A_8, %get3A_9] : memref<1000x128xf32, #tpu.memory_space<vmem>>, vector<1000x128xf32>
    %slice3A = vector.extract_strided_slice %get3A_7 {offsets = [0, 0], sizes = [1000, 8], strides = [1, 1]} : vector<1000x16xf32> to vector<1000x8xf32>
    %slice3A_11 = vector.extract_strided_slice %get3A_7 {offsets = [0, 8], sizes = [1000, 8], strides = [1, 1]} : vector<1000x16xf32> to vector<1000x8xf32>
    %add3A = arith.addf %slice3A, %slice3A_11 : vector<1000x8xf32>
    %ge3A = arith.constant 0.000000e+00 : f32
    %ge3A_12 = vector.broadcast %ge3A : f32 to vector<1000x8xf32>
    %ge3A_13 = arith.cmpf oge, %add3A, %ge3A_12 : vector<1000x8xf32>
    %mul3A = arith.constant 2.000000e-01 : f32
    %mul3A_14 = vector.broadcast %mul3A : f32 to vector<1000x8xf32>
    %mul3A_15 = arith.mulf %mul3A_14, %add3A : vector<1000x8xf32>
    %select_n3A = arith.select %ge3A_13, %add3A, %mul3A_15 : vector<1000x8xi1>, vector<1000x8xf32>
    %exp3A = math.exp %select_n3A : vector<1000x8xf32>
    %slice3A_16 = vector.extract_strided_slice %get3A_1 {offsets = [0, 0], sizes = [1000, 16], strides = [1, 1]} : vector<1000x144xf32> to vector<1000x16xf32>
    %slice3A_17 = vector.extract_strided_slice %get3A_4 {offsets = [0, 0], sizes = [1000, 16], strides = [1, 1]} : vector<1000x144xf32> to vector<1000x16xf32>
    %add3A_18 = arith.addf %slice3A_16, %slice3A_17 : vector<1000x16xf32>
    %slice3A_19 = vector.extract_strided_slice %exp3A {offsets = [0, 0], sizes = [1000, 1], strides = [1, 1]} : vector<1000x8xf32> to vector<1000x1xf32>
    %slice3A_20 = vector.extract_strided_slice %get3A_10 {offsets = [0, 0], sizes = [1000, 16], strides = [1, 1]} : vector<1000x128xf32> to vector<1000x16xf32>
    %mul3A_21 = vector.broadcast %slice3A_19 : vector<1000x1xf32> to vector<1000x16xf32>
    %mul3A_22 = arith.mulf %mul3A_21, %slice3A_20 : vector<1000x16xf32>
    %add3A_23 = arith.addf %add3A_18, %mul3A_22 : vector<1000x16xf32>
    %slice3A_24 = vector.extract_strided_slice %get3A_1 {offsets = [0, 128], sizes = [1000, 1], strides = [1, 1]} : vector<1000x144xf32> to vector<1000x1xf32>
    %slice3A_25 = vector.extract_strided_slice %get3A_4 {offsets = [0, 128], sizes = [1000, 1], strides = [1, 1]} : vector<1000x144xf32> to vector<1000x1xf32>
    %add3A_26 = arith.addf %slice3A_24, %slice3A_25 : vector<1000x1xf32>
    %slice3A_27 = vector.extract_strided_slice %exp3A {offsets = [0, 0], sizes = [1000, 1], strides = [1, 1]} : vector<1000x8xf32> to vector<1000x1xf32>
    %add3A_28 = arith.addf %add3A_26, %slice3A_27 : vector<1000x1xf32>
    %add3A_29 = arith.constant 1.000000e-16 : f32
    %add3A_30 = vector.broadcast %add3A_29 : f32 to vector<1000x1xf32>
    %add3A_31 = arith.addf %add3A_28, %add3A_30 : vector<1000x1xf32>
    %div3A = vector.broadcast %add3A_31 : vector<1000x1xf32> to vector<1000x16xf32>
    %div3A_32 = arith.divf %add3A_23, %div3A : vector<1000x16xf32>
    %slice3A_33 = vector.extract_strided_slice %get3A_1 {offsets = [0, 16], sizes = [1000, 16], strides = [1, 1]} : vector<1000x144xf32> to vector<1000x16xf32>
    %slice3A_34 = vector.extract_strided_slice %get3A_4 {offsets = [0, 16], sizes = [1000, 16], strides = [1, 1]} : vector<1000x144xf32> to vector<1000x16xf32>
    %add3A_35 = arith.addf %slice3A_33, %slice3A_34 : vector<1000x16xf32>
    %slice3A_36 = vector.extract_strided_slice %exp3A {offsets = [0, 1], sizes = [1000, 1], strides = [1, 1]} : vector<1000x8xf32> to vector<1000x1xf32>
    %slice3A_37 = vector.extract_strided_slice %get3A_10 {offsets = [0, 16], sizes = [1000, 16], strides = [1, 1]} : vector<1000x128xf32> to vector<1000x16xf32>
    %mul3A_38 = vector.broadcast %slice3A_36 : vector<1000x1xf32> to vector<1000x16xf32>
    %mul3A_39 = arith.mulf %mul3A_38, %slice3A_37 : vector<1000x16xf32>
    %add3A_40 = arith.addf %add3A_35, %mul3A_39 : vector<1000x16xf32>
    %slice3A_41 = vector.extract_strided_slice %get3A_1 {offsets = [0, 129], sizes = [1000, 1], strides = [1, 1]} : vector<1000x144xf32> to vector<1000x1xf32>
    %slice3A_42 = vector.extract_strided_slice %get3A_4 {offsets = [0, 129], sizes = [1000, 1], strides = [1, 1]} : vector<1000x144xf32> to vector<1000x1xf32>
    %add3A_43 = arith.addf %slice3A_41, %slice3A_42 : vector<1000x1xf32>
    %slice3A_44 = vector.extract_strided_slice %exp3A {offsets = [0, 1], sizes = [1000, 1], strides = [1, 1]} : vector<1000x8xf32> to vector<1000x1xf32>
    %add3A_45 = arith.addf %add3A_43, %slice3A_44 : vector<1000x1xf32>
    %add3A_46 = arith.constant 1.000000e-16 : f32
    %add3A_47 = vector.broadcast %add3A_46 : f32 to vector<1000x1xf32>
    %add3A_48 = arith.addf %add3A_45, %add3A_47 : vector<1000x1xf32>
    %div3A_49 = vector.broadcast %add3A_48 : vector<1000x1xf32> to vector<1000x16xf32>
    %div3A_50 = arith.divf %add3A_40, %div3A_49 : vector<1000x16xf32>
    %slice3A_51 = vector.extract_strided_slice %get3A_1 {offsets = [0, 32], sizes = [1000, 16], strides = [1, 1]} : vector<1000x144xf32> to vector<1000x16xf32>
    %slice3A_52 = vector.extract_strided_slice %get3A_4 {offsets = [0, 32], sizes = [1000, 16], strides = [1, 1]} : vector<1000x144xf32> to vector<1000x16xf32>
    %add3A_53 = arith.addf %slice3A_51, %slice3A_52 : vector<1000x16xf32>
    %slice3A_54 = vector.extract_strided_slice %exp3A {offsets = [0, 2], sizes = [1000, 1], strides = [1, 1]} : vector<1000x8xf32> to vector<1000x1xf32>
    %slice3A_55 = vector.extract_strided_slice %get3A_10 {offsets = [0, 32], sizes = [1000, 16], strides = [1, 1]} : vector<1000x128xf32> to vector<1000x16xf32>
    %mul3A_56 = vector.broadcast %slice3A_54 : vector<1000x1xf32> to vector<1000x16xf32>
    %mul3A_57 = arith.mulf %mul3A_56, %slice3A_55 : vector<1000x16xf32>
    %add3A_58 = arith.addf %add3A_53, %mul3A_57 : vector<1000x16xf32>
    %slice3A_59 = vector.extract_strided_slice %get3A_1 {offsets = [0, 130], sizes = [1000, 1], strides = [1, 1]} : vector<1000x144xf32> to vector<1000x1xf32>
    %slice3A_60 = vector.extract_strided_slice %get3A_4 {offsets = [0, 130], sizes = [1000, 1], strides = [1, 1]} : vector<1000x144xf32> to vector<1000x1xf32>
    %add3A_61 = arith.addf %slice3A_59, %slice3A_60 : vector<1000x1xf32>
    %slice3A_62 = vector.extract_strided_slice %exp3A {offsets = [0, 2], sizes = [1000, 1], strides = [1, 1]} : vector<1000x8xf32> to vector<1000x1xf32>
    %add3A_63 = arith.addf %add3A_61, %slice3A_62 : vector<1000x1xf32>
    %add3A_64 = arith.constant 1.000000e-16 : f32
    %add3A_65 = vector.broadcast %add3A_64 : f32 to vector<1000x1xf32>
    %add3A_66 = arith.addf %add3A_63, %add3A_65 : vector<1000x1xf32>
    %div3A_67 = vector.broadcast %add3A_66 : vector<1000x1xf32> to vector<1000x16xf32>
    %div3A_68 = arith.divf %add3A_58, %div3A_67 : vector<1000x16xf32>
    %slice3A_69 = vector.extract_strided_slice %get3A_1 {offsets = [0, 48], sizes = [1000, 16], strides = [1, 1]} : vector<1000x144xf32> to vector<1000x16xf32>
    %slice3A_70 = vector.extract_strided_slice %get3A_4 {offsets = [0, 48], sizes = [1000, 16], strides = [1, 1]} : vector<1000x144xf32> to vector<1000x16xf32>
    %add3A_71 = arith.addf %slice3A_69, %slice3A_70 : vector<1000x16xf32>
    %slice3A_72 = vector.extract_strided_slice %exp3A {offsets = [0, 3], sizes = [1000, 1], strides = [1, 1]} : vector<1000x8xf32> to vector<1000x1xf32>
    %slice3A_73 = vector.extract_strided_slice %get3A_10 {offsets = [0, 48], sizes = [1000, 16], strides = [1, 1]} : vector<1000x128xf32> to vector<1000x16xf32>
    %mul3A_74 = vector.broadcast %slice3A_72 : vector<1000x1xf32> to vector<1000x16xf32>
    %mul3A_75 = arith.mulf %mul3A_74, %slice3A_73 : vector<1000x16xf32>
    %add3A_76 = arith.addf %add3A_71, %mul3A_75 : vector<1000x16xf32>
    %slice3A_77 = vector.extract_strided_slice %get3A_1 {offsets = [0, 131], sizes = [1000, 1], strides = [1, 1]} : vector<1000x144xf32> to vector<1000x1xf32>
    %slice3A_78 = vector.extract_strided_slice %get3A_4 {offsets = [0, 131], sizes = [1000, 1], strides = [1, 1]} : vector<1000x144xf32> to vector<1000x1xf32>
    %add3A_79 = arith.addf %slice3A_77, %slice3A_78 : vector<1000x1xf32>
    %slice3A_80 = vector.extract_strided_slice %exp3A {offsets = [0, 3], sizes = [1000, 1], strides = [1, 1]} : vector<1000x8xf32> to vector<1000x1xf32>
    %add3A_81 = arith.addf %add3A_79, %slice3A_80 : vector<1000x1xf32>
    %add3A_82 = arith.constant 1.000000e-16 : f32
    %add3A_83 = vector.broadcast %add3A_82 : f32 to vector<1000x1xf32>
    %add3A_84 = arith.addf %add3A_81, %add3A_83 : vector<1000x1xf32>
    %div3A_85 = vector.broadcast %add3A_84 : vector<1000x1xf32> to vector<1000x16xf32>
    %div3A_86 = arith.divf %add3A_76, %div3A_85 : vector<1000x16xf32>
    %slice3A_87 = vector.extract_strided_slice %get3A_1 {offsets = [0, 64], sizes = [1000, 16], strides = [1, 1]} : vector<1000x144xf32> to vector<1000x16xf32>
    %slice3A_88 = vector.extract_strided_slice %get3A_4 {offsets = [0, 64], sizes = [1000, 16], strides = [1, 1]} : vector<1000x144xf32> to vector<1000x16xf32>
    %add3A_89 = arith.addf %slice3A_87, %slice3A_88 : vector<1000x16xf32>
    %slice3A_90 = vector.extract_strided_slice %exp3A {offsets = [0, 4], sizes = [1000, 1], strides = [1, 1]} : vector<1000x8xf32> to vector<1000x1xf32>
    %slice3A_91 = vector.extract_strided_slice %get3A_10 {offsets = [0, 64], sizes = [1000, 16], strides = [1, 1]} : vector<1000x128xf32> to vector<1000x16xf32>
    %mul3A_92 = vector.broadcast %slice3A_90 : vector<1000x1xf32> to vector<1000x16xf32>
    %mul3A_93 = arith.mulf %mul3A_92, %slice3A_91 : vector<1000x16xf32>
    %add3A_94 = arith.addf %add3A_89, %mul3A_93 : vector<1000x16xf32>
    %slice3A_95 = vector.extract_strided_slice %get3A_1 {offsets = [0, 132], sizes = [1000, 1], strides = [1, 1]} : vector<1000x144xf32> to vector<1000x1xf32>
    %slice3A_96 = vector.extract_strided_slice %get3A_4 {offsets = [0, 132], sizes = [1000, 1], strides = [1, 1]} : vector<1000x144xf32> to vector<1000x1xf32>
    %add3A_97 = arith.addf %slice3A_95, %slice3A_96 : vector<1000x1xf32>
    %slice3A_98 = vector.extract_strided_slice %exp3A {offsets = [0, 4], sizes = [1000, 1], strides = [1, 1]} : vector<1000x8xf32> to vector<1000x1xf32>
    %add3A_99 = arith.addf %add3A_97, %slice3A_98 : vector<1000x1xf32>
    %add3A_100 = arith.constant 1.000000e-16 : f32
    %add3A_101 = vector.broadcast %add3A_100 : f32 to vector<1000x1xf32>
    %add3A_102 = arith.addf %add3A_99, %add3A_101 : vector<1000x1xf32>
    %div3A_103 = vector.broadcast %add3A_102 : vector<1000x1xf32> to vector<1000x16xf32>
    %div3A_104 = arith.divf %add3A_94, %div3A_103 : vector<1000x16xf32>
    %slice3A_105 = vector.extract_strided_slice %get3A_1 {offsets = [0, 80], sizes = [1000, 16], strides = [1, 1]} : vector<1000x144xf32> to vector<1000x16xf32>
    %slice3A_106 = vector.extract_strided_slice %get3A_4 {offsets = [0, 80], sizes = [1000, 16], strides = [1, 1]} : vector<1000x144xf32> to vector<1000x16xf32>
    %add3A_107 = arith.addf %slice3A_105, %slice3A_106 : vector<1000x16xf32>
    %slice3A_108 = vector.extract_strided_slice %exp3A {offsets = [0, 5], sizes = [1000, 1], strides = [1, 1]} : vector<1000x8xf32> to vector<1000x1xf32>
    %slice3A_109 = vector.extract_strided_slice %get3A_10 {offsets = [0, 80], sizes = [1000, 16], strides = [1, 1]} : vector<1000x128xf32> to vector<1000x16xf32>
    %mul3A_110 = vector.broadcast %slice3A_108 : vector<1000x1xf32> to vector<1000x16xf32>
    %mul3A_111 = arith.mulf %mul3A_110, %slice3A_109 : vector<1000x16xf32>
    %add3A_112 = arith.addf %add3A_107, %mul3A_111 : vector<1000x16xf32>
    %slice3A_113 = vector.extract_strided_slice %get3A_1 {offsets = [0, 133], sizes = [1000, 1], strides = [1, 1]} : vector<1000x144xf32> to vector<1000x1xf32>
    %slice3A_114 = vector.extract_strided_slice %get3A_4 {offsets = [0, 133], sizes = [1000, 1], strides = [1, 1]} : vector<1000x144xf32> to vector<1000x1xf32>
    %add3A_115 = arith.addf %slice3A_113, %slice3A_114 : vector<1000x1xf32>
    %slice3A_116 = vector.extract_strided_slice %exp3A {offsets = [0, 5], sizes = [1000, 1], strides = [1, 1]} : vector<1000x8xf32> to vector<1000x1xf32>
    %add3A_117 = arith.addf %add3A_115, %slice3A_116 : vector<1000x1xf32>
    %add3A_118 = arith.constant 1.000000e-16 : f32
    %add3A_119 = vector.broadcast %add3A_118 : f32 to vector<1000x1xf32>
    %add3A_120 = arith.addf %add3A_117, %add3A_119 : vector<1000x1xf32>
    %div3A_121 = vector.broadcast %add3A_120 : vector<1000x1xf32> to vector<1000x16xf32>
    %div3A_122 = arith.divf %add3A_112, %div3A_121 : vector<1000x16xf32>
    %slice3A_123 = vector.extract_strided_slice %get3A_1 {offsets = [0, 96], sizes = [1000, 16], strides = [1, 1]} : vector<1000x144xf32> to vector<1000x16xf32>
    %slice3A_124 = vector.extract_strided_slice %get3A_4 {offsets = [0, 96], sizes = [1000, 16], strides = [1, 1]} : vector<1000x144xf32> to vector<1000x16xf32>
    %add3A_125 = arith.addf %slice3A_123, %slice3A_124 : vector<1000x16xf32>
    %slice3A_126 = vector.extract_strided_slice %exp3A {offsets = [0, 6], sizes = [1000, 1], strides = [1, 1]} : vector<1000x8xf32> to vector<1000x1xf32>
    %slice3A_127 = vector.extract_strided_slice %get3A_10 {offsets = [0, 96], sizes = [1000, 16], strides = [1, 1]} : vector<1000x128xf32> to vector<1000x16xf32>
    %mul3A_128 = vector.broadcast %slice3A_126 : vector<1000x1xf32> to vector<1000x16xf32>
    %mul3A_129 = arith.mulf %mul3A_128, %slice3A_127 : vector<1000x16xf32>
    %add3A_130 = arith.addf %add3A_125, %mul3A_129 : vector<1000x16xf32>
    %slice3A_131 = vector.extract_strided_slice %get3A_1 {offsets = [0, 134], sizes = [1000, 1], strides = [1, 1]} : vector<1000x144xf32> to vector<1000x1xf32>
    %slice3A_132 = vector.extract_strided_slice %get3A_4 {offsets = [0, 134], sizes = [1000, 1], strides = [1, 1]} : vector<1000x144xf32> to vector<1000x1xf32>
    %add3A_133 = arith.addf %slice3A_131, %slice3A_132 : vector<1000x1xf32>
    %slice3A_134 = vector.extract_strided_slice %exp3A {offsets = [0, 6], sizes = [1000, 1], strides = [1, 1]} : vector<1000x8xf32> to vector<1000x1xf32>
    %add3A_135 = arith.addf %add3A_133, %slice3A_134 : vector<1000x1xf32>
    %add3A_136 = arith.constant 1.000000e-16 : f32
    %add3A_137 = vector.broadcast %add3A_136 : f32 to vector<1000x1xf32>
    %add3A_138 = arith.addf %add3A_135, %add3A_137 : vector<1000x1xf32>
    %div3A_139 = vector.broadcast %add3A_138 : vector<1000x1xf32> to vector<1000x16xf32>
    %div3A_140 = arith.divf %add3A_130, %div3A_139 : vector<1000x16xf32>
    %slice3A_141 = vector.extract_strided_slice %get3A_1 {offsets = [0, 112], sizes = [1000, 16], strides = [1, 1]} : vector<1000x144xf32> to vector<1000x16xf32>
    %slice3A_142 = vector.extract_strided_slice %get3A_4 {offsets = [0, 112], sizes = [1000, 16], strides = [1, 1]} : vector<1000x144xf32> to vector<1000x16xf32>
    %add3A_143 = arith.addf %slice3A_141, %slice3A_142 : vector<1000x16xf32>
    %slice3A_144 = vector.extract_strided_slice %exp3A {offsets = [0, 7], sizes = [1000, 1], strides = [1, 1]} : vector<1000x8xf32> to vector<1000x1xf32>
    %slice3A_145 = vector.extract_strided_slice %get3A_10 {offsets = [0, 112], sizes = [1000, 16], strides = [1, 1]} : vector<1000x128xf32> to vector<1000x16xf32>
    %mul3A_146 = vector.broadcast %slice3A_144 : vector<1000x1xf32> to vector<1000x16xf32>
    %mul3A_147 = arith.mulf %mul3A_146, %slice3A_145 : vector<1000x16xf32>
    %add3A_148 = arith.addf %add3A_143, %mul3A_147 : vector<1000x16xf32>
    %slice3A_149 = vector.extract_strided_slice %get3A_1 {offsets = [0, 135], sizes = [1000, 1], strides = [1, 1]} : vector<1000x144xf32> to vector<1000x1xf32>
    %slice3A_150 = vector.extract_strided_slice %get3A_4 {offsets = [0, 135], sizes = [1000, 1], strides = [1, 1]} : vector<1000x144xf32> to vector<1000x1xf32>
    %add3A_151 = arith.addf %slice3A_149, %slice3A_150 : vector<1000x1xf32>
    %slice3A_152 = vector.extract_strided_slice %exp3A {offsets = [0, 7], sizes = [1000, 1], strides = [1, 1]} : vector<1000x8xf32> to vector<1000x1xf32>
    %add3A_153 = arith.addf %add3A_151, %slice3A_152 : vector<1000x1xf32>
    %add3A_154 = arith.constant 1.000000e-16 : f32
    %add3A_155 = vector.broadcast %add3A_154 : f32 to vector<1000x1xf32>
    %add3A_156 = arith.addf %add3A_153, %add3A_155 : vector<1000x1xf32>
    %div3A_157 = vector.broadcast %add3A_156 : vector<1000x1xf32> to vector<1000x16xf32>
    %div3A_158 = arith.divf %add3A_148, %div3A_157 : vector<1000x16xf32>
    %concatenate3A = tpu.concatenate %div3A_32, %div3A_50, %div3A_68, %div3A_86, %div3A_104, %div3A_122, %div3A_140, %div3A_158 in 1 : vector<1000x16xf32>, vector<1000x16xf32>, vector<1000x16xf32>, vector<1000x16xf32>, vector<1000x16xf32>, vector<1000x16xf32>, vector<1000x16xf32>, vector<1000x16xf32> -> vector<1000x128xf32>
    %get3A_159 = arith.constant 0 : index
    %get3A_160 = arith.constant 0 : index
    %get3A_161 = vector.load %arg5[%get3A_159, %get3A_160] : memref<1x128xf32, #tpu.memory_space<vmem>>, vector<1x128xf32>
    %add3A_162 = vector.broadcast %get3A_161 : vector<1x128xf32> to vector<1000x128xf32>
    %add3A_163 = arith.addf %concatenate3A, %add3A_162 : vector<1000x128xf32>
    %max3A = arith.constant 0.000000e+00 : f32
    %max3A_164 = vector.broadcast %max3A : f32 to vector<1000x128xf32>
    %max3A_165 = arith.maximumf %add3A_163, %max3A_164 : vector<1000x128xf32>
    %swap3A = arith.constant 0 : index
    %swap3A_166 = arith.constant 0 : index
    %swap3A_167 = vector.load %arg6[%swap3A, %swap3A_166] : memref<1000x128xf32, #tpu.memory_space<vmem>>, vector<1000x128xf32>
    tpu.vector_store %arg6[%swap3A, %swap3A_166], %max3A_165 {strides = array<i32>} : memref<1000x128xf32, #tpu.memory_space<vmem>>, vector<1000x128xf32>,
    return
  }
  func.func @transform_0(%arg0: i32) -> (i32, i32) {
    %c0_i32 = arith.constant 0 : i32
    %c0_i32_0 = arith.constant 0 : i32
    return %arg0, %c0_i32 : i32, i32
  }
  func.func @transform_1(%arg0: i32) -> (i32, i32) {
    %c0_i32 = arith.constant 0 : i32
    %c0_i32_0 = arith.constant 0 : i32
    return %arg0, %c0_i32 : i32, i32
  }
  func.func @transform_2(%arg0: i32) -> (i32, i32) {
    %c0_i32 = arith.constant 0 : i32
    %c0_i32_0 = arith.constant 0 : i32
    return %arg0, %c0_i32 : i32, i32
  }
  func.func @transform_3(%arg0: i32) -> (i32, i32) {
    %c0_i32 = arith.constant 0 : i32
    %c0_i32_0 = arith.constant 0 : i32
    return %arg0, %c0_i32 : i32, i32
  }
  func.func @transform_4(%arg0: i32) -> (i32, i32) {
    %c0_i32 = arith.constant 0 : i32
    %c0_i32_0 = arith.constant 0 : i32
    %c0_i32_1 = arith.constant 0 : i32
    return %c0_i32, %c0_i32_0 : i32, i32
  }
  func.func @transform_5(%arg0: i32) -> (i32, i32) {
    %c0_i32 = arith.constant 0 : i32
    %c0_i32_0 = arith.constant 0 : i32
    return %arg0, %c0_i32 : i32, i32
  }
}

</mosaic_0001>

<sc_bundles>
// kernel: kernel.5.cloned.1.call-start
scs
__scs_entry_jumppad:
0x0: {  	(pc) =	sbr.rel $0x88, $3  }
0x1: {  	(tag) =	ssettag $0x0;
	lr =	simm.s32 $0x1  }
0x2: {  	[smem:$0x3F9B] =	sst lr;
	_ =	strace $0xD0000000  }
0x3: {  	_ = 	snop  }
0x4: {  	_ = 	snop  }
0x5: {  	_ = 	snop  }
0x6: {  	_ = 	snop  }
0x7: {  	_ = 	snop  }
__scs_overlays_trampoline_lowered:
0x8: {  	[smem:$0x3FAA] =	sst s0  }
0x9: {  	[smem:$0x3FAB] =	sst s1  }
0xa: {  	[smem:$0x3FAC] =	sst s2  }
0xb: {  	[smem:$0x3FAD] =	sst s3  }
0xc: {  	[smem:$0x3FAE] =	sst s4  }
0xd: {  	[smem:$0x3FAF] =	sst s5  }
0xe: {  	[smem:$0x3FB0] =	sst s6  }
0xf: {  	[smem:$0x3FB1] =	sst s7  }
0x10: {  	[smem:$0x3FB2] =	sst s8  }
0x11: {  	[smem:$0x3FB3] =	sst s9;
	s0 =	simm.s32 @!p0 $0x0  }
0x12: {  	s1 =	sld [smem:$0x3F99];
	s0 =	simm.s32 @p0 $0x1  }
0x13: {  	[smem:$0x3FB4] =	sst s0;
	s0 =	simm.s32 @!p1 $0x0  }
0x14: {  	s2 =	sld [smem:$0x3F98];
	s0 =	simm.s32 @p1 $0x1  }
0x15: {  	[smem:$0x3FB5] =	sst s0;
	s0 =	simm.s32 @!p2 $0x0  }
0x16: {  	s3 =	sld [smem:$0x3FDB];
	s0 =	simm.s32 @p2 $0x1  }
0x17: {  	s4 =	simm.s32 $0x1BF5;
	[smem:$0x3FB7] =	sst s0  }
0x18: {  	s0 =	sld [smem:$0x3F9A];
	_ =	swait.ge [sflag:s4], $0x0  }
0x19: {  	s7 =	sld [smem:$0x3F9B]  }
0x1a: {  	s8 =	sadd.s32 $0xFFFFE003, lr  }
0x1b: {  	s9 =	sadd.s32 $0xFFFFFEF7, lr;
	s5 =	simm.s32 $0xFFFFFFFF;
	p2 =	slt.u32 s8, $0xFFFFF086  }
0x1c: {  	p1 =	slt.u32 s9, $0xF7A;
	s5 =	simm.s32 @!p2 $0x0  }
0x1d: {  	s5 =	simm.s32 @p1 $0x1;
	p0 =	seq.s32 s7, s2  }
0x1e: {  	s7 =	smul.u32 @!p0 $0xF7A, s2;
	p2 =	seq.s32 @!p0 s5, $0x0  }
0x1f: {  	s9 =	smul.u32 $0xF7A, s1;
	s8 =	simm.s32 @!p0 $0x1BF5;
	p2 =	por !p2, p0  }
0x20: {  	[sflag:s8] =	ssyncset.s32 @!p0 $0xFFFFF086;
	s6 =	sadd.s32 @!p0 s3, s7;
	s7 =	simm.s32 @!p0 $0x108  }
0x21: {  	s3 =	sadd.s32 s3, s9;
	s6 =	sadd.s32 @!p0 $0x88, s6;
	s7 =	simm.s32 @p2 $0x1082  }
0x22: {  	[simem:s7], [sflag:s8] =	dma.local @!p0 [hbm:s6], $0xF7A  }
0x23: {  	s9 =	sor.u32 $0xD0000000, s2;
	s6 =	simm.s32 $0x108;
	_ =	swait.ge @!p0 [sflag:s8], $0x0  }
0x24: {  	s3 =	sadd.s32 $0x88, s3;
	s6 =	simm.s32 @!p1 $0x1082;
	[sflag:s4] =	ssyncset.s32 $0xFFFFF086  }
0x25: {  	[simem:s6], [sflag:s4] =	dma.local [hbm:s3], $0xF7A  }
0x26: {  	[smem:$0x3F9B] =	sst s1;
	(tag) =	ssettag s2;
	_ =	strace s9  }
0x27: {  	s1 =	sld [smem:$0x3FAB]  }
0x28: {  	s2 =	sld [smem:$0x3FAC]  }
0x29: {  	s4 =	sld [smem:$0x3FAE]  }
0x2a: {  	p0 =	seq.s32 s5, $0x0;
	s5 =	sld [smem:$0x3FAF]  }
0x2b: {  	s6 =	sld [smem:$0x3FB0]  }
0x2c: {  	s7 =	sld [smem:$0x3FB1]  }
0x2d: {  	s3 =	simm.s32 $0x108;
	s8 =	sld [smem:$0x3FB2]  }
0x2e: {  	s3 =	simm.s32 @!p0 $0x1082;
	s9 =	sld [smem:$0x3FB3]  }
0x2f: {  	lr =	sadd.s32 s0, s3;
	s0 =	sld [smem:$0x3FAA]  }
0x30: {  	s3 =	sld [smem:$0x3FAD]  }
0x31: {  	[smem:$0x3FB6] =	sst s10  }
0x32: {  	s10 =	sld [smem:$0x3FB4];
	_ =	sdelay $0x3  }
0x33: {  	p0 =	seq.s32 s10, $0x1;
	s10 =	sld [smem:$0x3FB6];
	_ =	sdelay $0x3  }
0x34: {  	[smem:$0x3FB6] =	sst s10  }
0x35: {  	s10 =	sld [smem:$0x3FB5];
	_ =	sdelay $0x3  }
0x36: {  	p1 =	seq.s32 s10, $0x1;
	s10 =	sld [smem:$0x3FB6];
	_ =	sdelay $0x3  }
0x37: {  	[smem:$0x3FB6] =	sst s10  }
0x38: {  	s10 =	sld [smem:$0x3FB7]  }
0x39: {  	_ = 	snop;
	(pc) =	sbr.ind lr, $3  }
0x3a: {  	_ = 	snop  }
0x3b: {  	_ = 	snop  }
0x3c: {  	p2 =	seq.s32 s10, $0x1;
	s10 =	sld [smem:$0x3FB6]  }
0x3d: {  	_ =	shalt  }
0x3e: {  	_ =	shalt  }
0x3f: {  	_ =	shalt  }
0x40: {  	_ =	shalt  }
0x41: {  	_ =	shalt  }
0x42: {  	_ =	shalt  }
0x43: {  	_ =	shalt  }
0x44: {  	_ =	shalt  }
0x45: {  	_ =	shalt  }
0x46: {  	_ =	shalt  }
0x47: {  	_ =	shalt  }
0x48: {  	_ =	shalt  }
0x49: {  	_ =	shalt  }
0x4a: {  	_ =	shalt  }
0x4b: {  	_ =	shalt  }
0x4c: {  	_ =	shalt  }
0x4d: {  	_ =	shalt  }
0x4e: {  	_ =	shalt  }
0x4f: {  	_ =	shalt  }
0x50: {  	_ =	shalt  }
0x51: {  	_ =	shalt  }
0x52: {  	_ =	shalt  }
0x53: {  	_ =	shalt  }
0x54: {  	_ =	shalt  }
0x55: {  	_ =	shalt  }
0x56: {  	_ =	shalt  }
0x57: {  	_ =	shalt  }
0x58: {  	_ =	shalt  }
0x59: {  	_ =	shalt  }
0x5a: {  	_ =	shalt  }
0x5b: {  	_ =	shalt  }
0x5c: {  	_ =	shalt  }
0x5d: {  	_ =	shalt  }
0x5e: {  	_ =	shalt  }
0x5f: {  	_ =	shalt  }
0x60: {  	_ =	shalt  }
0x61: {  	_ =	shalt  }
0x62: {  	_ =	shalt  }
0x63: {  	_ =	shalt  }
0x64: {  	_ =	shalt  }
0x65: {  	_ =	shalt  }
0x66: {  	_ =	shalt  }
0x67: {  	_ =	shalt  }
0x68: {  	_ =	shalt  }
0x69: {  	_ =	shalt  }
0x6a: {  	_ =	shalt  }
0x6b: {  	_ =	shalt  }
0x6c: {  	_ =	shalt  }
0x6d: {  	_ =	shalt  }
0x6e: {  	_ =	shalt  }
0x6f: {  	_ =	shalt  }
0x70: {  	_ =	shalt  }
0x71: {  	_ =	shalt  }
0x72: {  	_ =	shalt  }
0x73: {  	_ =	shalt  }
0x74: {  	_ =	shalt  }
0x75: {  	_ =	shalt  }
0x76: {  	_ =	shalt  }
0x77: {  	_ =	shalt  }
0x78: {  	_ =	shalt  }
0x79: {  	_ =	shalt  }
0x7a: {  	_ =	shalt  }
0x7b: {  	_ =	shalt  }
0x7c: {  	_ =	shalt  }
0x7d: {  	_ =	shalt  }
0x7e: {  	_ =	shalt  }
0x7f: {  	_ =	shalt  }
0x80: {  	_ =	shalt  }
0x81: {  	_ =	shalt  }
0x82: {  	_ =	shalt  }
0x83: {  	_ =	shalt  }
0x84: {  	_ =	shalt  }
0x85: {  	_ =	shalt  }
0x86: {  	_ =	shalt  }
0x87: {  	_ =	shalt  }
.Lfunc_end0:
.L_simem_size_0:
called_computation_lowered:
.L_overlay_start_0:
0x88: {  	s2 =	sld [smem:$0x3FD9]  }
0x89: {  	s3 =	sld [smem:$0x3FFE];
	_ =	sdelay $0x1  }
0x8a: {  	s1 =	srdreg.scid  }
0x8b: {  	s0 =	sand.u32 $0x1, s1  }
0x8c: {  	s17 =	sshll.u32 s0, $0xA;
	s2 =	sadd.s32 s3, s2  }
0x8d: {  	s2 =	sadd.s32 s2, s17  }
0x8e: {  	[smem:$0x3FC2] =	sst s2  }
0x8f: {  	_ = 	snop  }
0x90: {  	s2 =	sld [smem:$0x3FD0];
	(tm) =	ssettm $0x1  }
0x91: {  	s18 =	sld [smem:$0x3FFB];
	_ =	sdelay $0x3  }
0x92: {  	_ =	strace s18  }
0x93: {  	s3 =	sld [smem:$0x3FFC];
	_ =	sdelay $0x3  }
0x94: {  	_ =	strace s3  }
0x95: {  	s3 =	sld [smem:$0x3FFD];
	_ =	sdelay $0x3  }
0x96: {  	_ =	strace s3  }
0x97: {  	_ =	strace $0x8FFFFFFF  }
0x98: {  	s19 =	sld [smem:$0x3FDB];
	_ =	sdelay $0x1  }
0x99: {  	s4 =	simm.s32 $_scs_section_size  }
0x9a: {  	s5 =	simm.s32 $_size__tile_overlayer_lowered;
	s6 =	simm.s32 $_tile_overlayer_lowered  }
0x9b: {  	s22 =	simm.s32 $0x1BFF;
	s21 =	sshll.u32 s6, $0x1;
	s3 =	sadd.s32 s4, s19  }
0x9c: {  	s7 =	simm.s32 $0x0;
	s20 =	sshll.u32 s5, $0x1;
	s5 =	sadd.s32 s21, s3  }
0x9d: {  	[timem:s7], [sflag:s22] =	dma.local [hbm:s5], s20  }
0x9e: {  	_ =	swait.ge [sflag:s22], s20  }
0x9f: {  	s4 =	ssub.s32 $0x0, s20;
	[sflag:s22] =	ssyncset.done $0x0  }
0xa0: {  	[sflag:s22] =	ssyncadd.s32 s4;
	_ =	sdelay $0x1  }
0xa1: {  	s23 =	simm.s32 $0x1B8B  }
0xa2: {  	_ =	swait.ge [sflag:s23], $0x1  }
0xa3: {  	[sflag:s23] =	ssyncset.done $0x0  }
0xa4: {  	s25 =	simm.s32 $0x1B8E;
	s24 =	sld [smem:$0x3FFE];
	[sflag:s23] =	ssyncadd.s32 $0xFFFFFFFF  }
0xa5: {  	s26 =	simm.s32 $execute0_lowered;
	[smem:$0x3FD2] =	sst s25  }
0xa6: {  	s5 =	sshll.u32 s26, $0x1;
	_ =	strace $0x80000046;
	[dreg:$0x1] =	wrdreg $0xFFFFFFFF  }
0xa7: {  	s28 =	simm.s32 $_size_execute0_lowered;
	s3 =	sadd.s32 s3, s5;
	[dreg:$0x0] =	wrdreg $0x0  }
0xa8: {  	s5 =	sshll.u32 s28, $0x1;
	[dreg:$0x2] =	wrdreg s3  }
0xa9: {  	[dreg:$0x3] =	wrdreg s5  }
0xaa: {  	[dreg:$0x4] =	wrdreg $0xC0  }
0xab: {  	_ =	task [dreg:s7], $0x5FFFF  }
0xac: {  	[dreg:$0x1] =	wrdreg $0xFFFFFFFF  }
0xad: {  	[dreg:$0x0] =	wrdreg $0x60  }
0xae: {  	[dreg:$0x2] =	wrdreg s24  }
0xaf: {  	[dreg:$0x3] =	wrdreg s2  }
0xb0: {  	[dreg:$0x4] =	wrdreg $0x0  }
0xb1: {  	[dreg:$0x5] =	wrdreg $0x9  }
0xb2: {  	_ =	task.clear_ibuf [dreg:s7], $0x6FFFF;
	_ =	strace $0x90000046  }
0xb3: {  	s29 =	simm.s32 $0x9;
	_ =	strace $0x80000048  }
0xb4: {  	_ =	swait.ge [sflag:s29], $0x1  }
0xb5: {  	[sflag:s29] =	ssyncadd.s32 $0xFFFFFFFF  }
0xb6: {  	_ =	strace $0x90000048  }
0xb7: {  	_ =	sfence  }
0xb8: {  	s30 =	sld [smem:$0x0];
	_ =	sdelay $0x2  }
0xb9: {  	s31 =	sshll.u32 s1, $0xD;
	s1 =	sshrl.u32 s1, $0x2  }
0xba: {  	s3 =	sand.u32 $0x4000, s31;
	s1 =	sadd.s32 s1, s30  }
0xbb: {  	s0 =	sor.u32 s3, s0;
	s1 =	sshll.u32 s1, $0x11  }
0xbc: {  	s0 =	sor.u32 s1, s0  }
0xbd: {  	s0 =	sadd.s32 $0x8F2B, s0  }
0xbe: {  	[sflag:s0] =	ssyncadd.remote.s32 $0x1  }
0xbf: {  	_ =	sfence.sel $0xFFFF  }
0xc0: {  	[dreg:$0x0] =	wrdreg $0xFFFFFFFF;
	(pc) =	sbr.abs _section_cstart, $3  }
0xc1: {  	[dreg:$0x1] =	wrdreg $0xFFFFFFFF  }
0xc2: {  	_ =	task.clear_ibuf [dreg:s7], $0x2FFFF;
	_ =	strace $0x9FFFFFFF  }
0xc3: {  	(tm) =	ssettm $0x7FFFFFFF  }
tec
execute0_lowered:
.L_overlay_start_1:
0x0: {  	(tag) =	ssettag $0x1  }
0x1: {  	s0 =	rddreg [dreg:$0x0]  }
0x2: {  	s2 =	rddreg [dreg:$0x1]  }
0x3: {  	s3 =	rddreg [dreg:$0x2]  }
0x4: {  	s1 =	srdreg.scid;
	s12 =	stileid.u32;
	s4 =	simm.s32 $0x0  }
0x5: {  	s29 =	simm.s32 $0x168A0;
	s30 =	simm.s32 $0x7;
	s10 =	smul.u32 $0x5A000, s12  }
0x6: {  	s31 =	simm.s32 $0x4;
	s1 =	sand.u32 $0x1, s1;
	s8 =	smul.u32 $0x16800, s12  }
0x7: {  	[smem:$0x7FF] =	sst s4;
	s5 =	sadd.s32 $0xB000, s0;
	s10 =	sshrl.u32 s10, $0x2  }
0x8: {  	s6 =	sadd.s32 $0x1200, s0;
	s17 =	sadd.s32 s8, s3;
	s10 =	sadd.s32 s10, s3  }
0x9: {  	_ =	strace $0x80000047;
	[dreg:$0x4] =	wrdreg s17;
	s21 =	sadd.s32 $0x1680, s10  }
0xa: {  	s7 =	smul.u32 $0x168000, s1;
	s22 =	sadd.s32 $0x2D00, s10;
	[dreg:$0x5] =	wrdreg s21  }
0xb: {  	s11 =	ssub.s32 $0x2, s1;
	s23 =	sadd.s32 $0x4380, s10;
	[dreg:$0x6] =	wrdreg s22  }
0xc: {  	s1 =	sshll.u32 s1, $0x4;
	s24 =	sadd.s32 $0x5A00, s10;
	[dreg:$0x7] =	wrdreg s23  }
0xd: {  	s20 =	sshrl.u32 s11, $0x1;
	s25 =	sadd.s32 $0x7080, s10;
	[dreg:$0x8] =	wrdreg s24  }
0xe: {  	s1 =	sor.u32 s12, s1;
	s26 =	sadd.s32 $0x8700, s10;
	[dreg:$0x9] =	wrdreg s25  }
0xf: {  	s9 =	sadd.s32 s8, s7;
	s28 =	sadd.s32 $0x9D80, s10;
	[dreg:$0xa] =	wrdreg s26  }
0x10: {  	s7 =	sadd.s32 $0x14E00, s0;
	s12 =	sadd.s32 $0xCA80, s10;
	[dreg:$0xb] =	wrdreg s28  }
0x11: {  	s18 =	smul.u32 $0x2710, s1;
	s13 =	sadd.s32 $0xE100, s10;
	[dreg:$0xd] =	wrdreg s12  }
0x12: {  	s8 =	simm.s32 $0x8;
	s14 =	sadd.s32 $0xF780, s10;
	[dreg:$0xe] =	wrdreg s13  }
0x13: {  	s9 =	sshrl.u32 s9, $0x3;
	s15 =	sadd.s32 $0x10E00, s10;
	[dreg:$0xf] =	wrdreg s14  }
0x14: {  	s16 =	sadd.s32 $0x12480, s10;
	s19 =	sadd.s32 $0x13B00, s10;
	[dreg:$0x10] =	wrdreg s15  }
0x15: {  	s0 =	sadd.s32 s9, s0;
	s9 =	ssub.s32 s11, s20;
	[dreg:$0x11] =	wrdreg s16  }
0x16: {  	s11 =	sadd.s32 $0xB400, s10;
	[dreg:$0x12] =	wrdreg s19;
	s24 =	sadd.s32 $0x28, s18  }
0x17: {  	s20 =	sadd.s32 $0x15180, s10;
	s21 =	sshrl.u32 s18, $0x3;
	s12 =	simm.s32 $0x16800  }
0x18: {  	s13 =	simm.s32 $0x16850;
	s14 =	simm.s32 $0x1;
	[dreg:$0xc] =	wrdreg s11  }
0x19: {  	s15 =	simm.s32 $0x28;
	s16 =	simm.s32 $0x0;
	[dreg:$0x13] =	wrdreg s20  }
0x1a: {  	s22 =	sshrl.u32 s24, $0x3;
	s23 =	sadd.s32 s5, s21;
	s1 =	sadd.s32 s6, s21  }
0x1b: {  	v0 =	vimm.s32 $0xFEDCBA98;
	s0 =	sadd.s32 $0x19E00, s0;
	s28 =	smax.u32 s9, $0x1;
	[dreg:$0x14] =	wrdreg s23  }
0x1c: {  	vm0 =	vcmask $0x1F00;
	v0 =	vunpack.c.l.s4.s8 v0;
	s9 =	sadd.s32 $0x78, s18;
	s11 =	simm.s32 $0x9;
	[dreg:$0x15] =	wrdreg s1  }
0x1d: {  	v2 =	vimm.s32 $0x0;
	v3 =	vimm.s32 $0x1;
	v4 =	vimm.s32 $0x2;
	s20 =	simm.s32 $0x16828;
	s21 =	simm.s32 $0x16878;
	[dreg:$0x18] =	wrdreg s0  }
0x1e: {  	v5 =	vimm.s32 $0x3;
	v6 =	vimm.s32 $0x4;
	v1 =	vunpack.c.0.s8.s32 v0;
	s25 =	sadd.s32 s5, s22;
	s26 =	sadd.s32 s6, s22;
	[dreg:$0x19] =	wrdreg s28  }
0x1f: {  	v7 =	vimm.s32 $0x5;
	v8 =	vimm.s32 $0x6;
	v9 =	vimm.s32 $0x7;
	s1 =	sadd.s32 $0x50, s18;
	s22 =	simm.s32 $0x3;
	[dreg:$0x16] =	wrdreg s25  }
0x20: {  	v0 =	vimm.f32 $0.0e+00;
	v1 =	vnsel vm0, $0xF, v1;
	vm0 =	vmmov $0xff;
	s23 =	simm.s32 $0x2;
	s0 =	simm.s32 $0x168C8;
	[dreg:$0x17] =	wrdreg s26  }
.LBB2_1:
0x21: {  	[dreg:$0x1a] =	wrdreg s16;
	s10 =	simm.s32 $0x0;
	s16 =	simm.s32 $0x240  }
.LBB2_2:
0x22: {  	p0 =	sne.s32 s16, $0x57C0;
	[tilespmem:s10+$0x1B1F0] =	vst v0  }
0x23: {  	[tilespmem:s10+$0x19AF0] =	vst v0  }
0x24: {  	[tilespmem:s10+$0x1B170] =	vst v0  }
0x25: {  	[tilespmem:s10+$0x19B00] =	vst v0  }
0x26: {  	[tilespmem:s10+$0x1B180] =	vst v0  }
0x27: {  	[tilespmem:s10+$0x19B10] =	vst v0  }
0x28: {  	[tilespmem:s10+$0x1B190] =	vst v0  }
0x29: {  	[tilespmem:s10+$0x19B20] =	vst v0  }
0x2a: {  	[tilespmem:s10+$0x1B1A0] =	vst v0  }
0x2b: {  	[tilespmem:s10+$0x19B30] =	vst v0  }
0x2c: {  	[tilespmem:s10+$0x1B1B0] =	vst v0  }
0x2d: {  	[tilespmem:s10+$0x19B40] =	vst v0  }
0x2e: {  	[tilespmem:s10+$0x1B1C0] =	vst v0  }
.Ltmp0:
0x2f: {  	[tilespmem:s10+$0x19B50] =	vst v0;
	(pc) =	sbr.rel @p0 .LBB2_2-.Ltmp0, $4  }
0x30: {  	[tilespmem:s10+$0x1B1D0] =	vst v0  }
0x31: {  	[tilespmem:s10+$0x19B60] =	vst v0  }
0x32: {  	[tilespmem:s10+$0x1B1E0] =	vst v0  }
0x33: {  	[tilespmem:s10+$0x19B70] =	vst v0;
	s10 =	sshra.s32 s16, $0x2;
	s16 =	sadd.s32 $0x240, s16  }
0x34: {  	[tilespmem:s10+$0x1B1F0] =	vst v0  }
0x35: {  	[tilespmem:s10+$0x19AF0] =	vst v0  }
0x36: {  	[tilespmem:s10+$0x1B170] =	vst v0  }
0x37: {  	[tilespmem:s10+$0x19B00] =	vst v0  }
0x38: {  	[tilespmem:s10+$0x1B180] =	vst v0  }
0x39: {  	[tilespmem:s10+$0x19B10] =	vst v0  }
0x3a: {  	[tilespmem:s10+$0x1B190] =	vst v0  }
0x3b: {  	[tilespmem:s10+$0x19B20] =	vst v0  }
0x3c: {  	[tilespmem:s10+$0x1B1A0] =	vst v0  }
0x3d: {  	[tilespmem:s10+$0x19B30] =	vst v0  }
0x3e: {  	[tilespmem:s10+$0x1B1B0] =	vst v0  }
0x3f: {  	[tilespmem:s10+$0x19B40] =	vst v0  }
0x40: {  	[tilespmem:s10+$0x1B1C0] =	vst v0  }
0x41: {  	[tilespmem:s10+$0x19B50] =	vst v0  }
0x42: {  	[tilespmem:s10+$0x1B1D0] =	vst v0  }
0x43: {  	[tilespmem:s10+$0x19B60] =	vst v0  }
0x44: {  	[tilespmem:s10+$0x1B1E0] =	vst v0  }
0x45: {  	[tilespmem:s10+$0x19B70] =	vst v0;
	s16 =	simm.s32 $0x19AF0  }
0x46: {  	[spmem:s17] =	stream.linear.scatter [tilespmem:s16], [sflag:$0x9], $0x1680, $0x38;
	[tilespmem:$0x1C7F0] =	vst v63  }
0x47: {  	_ =	swait.ge [sflag:s11], $0x1680  }
0x48: {  	[sflag:s11] =	ssyncset.done $0x0  }
0x49: {  	s25 =	rddreg [dreg:$0x5];
	[sflag:s11] =	ssyncadd.s32 $0xFFFFE980  }
0x4a: {  	[spmem:s25] =	stream.linear.scatter [tilespmem:s16], [sflag:$0x9], $0x1680, $0x38;
	[tilespmem:$0x1C7F0] =	vst v63  }
0x4b: {  	_ =	swait.ge [sflag:s11], $0x1680  }
0x4c: {  	[sflag:s11] =	ssyncset.done $0x0  }
0x4d: {  	s26 =	rddreg [dreg:$0x6];
	[sflag:s11] =	ssyncadd.s32 $0xFFFFE980  }
0x4e: {  	[spmem:s26] =	stream.linear.scatter [tilespmem:s16], [sflag:$0x9], $0x1680, $0x38;
	[tilespmem:$0x1C7F0] =	vst v63  }
0x4f: {  	_ =	swait.ge [sflag:s11], $0x1680  }
0x50: {  	[sflag:s11] =	ssyncset.done $0x0  }
0x51: {  	s17 =	rddreg [dreg:$0x7];
	[sflag:s11] =	ssyncadd.s32 $0xFFFFE980  }
0x52: {  	[spmem:s17] =	stream.linear.scatter [tilespmem:s16], [sflag:$0x9], $0x1680, $0x38;
	[tilespmem:$0x1C7F0] =	vst v63  }
0x53: {  	_ =	swait.ge [sflag:s11], $0x1680  }
0x54: {  	[sflag:s11] =	ssyncset.done $0x0  }
0x55: {  	s19 =	rddreg [dreg:$0x8];
	[sflag:s11] =	ssyncadd.s32 $0xFFFFE980  }
0x56: {  	[spmem:s19] =	stream.linear.scatter [tilespmem:s16], [sflag:$0x9], $0x1680, $0x38;
	[tilespmem:$0x1C7F0] =	vst v63  }
0x57: {  	_ =	swait.ge [sflag:s11], $0x1680  }
0x58: {  	[sflag:s11] =	ssyncset.done $0x0  }
0x59: {  	s25 =	rddreg [dreg:$0x9];
	[sflag:s11] =	ssyncadd.s32 $0xFFFFE980  }
0x5a: {  	[spmem:s25] =	stream.linear.scatter [tilespmem:s16], [sflag:$0x9], $0x1680, $0x38;
	[tilespmem:$0x1C7F0] =	vst v63  }
0x5b: {  	_ =	swait.ge [sflag:s11], $0x1680  }
0x5c: {  	[sflag:s11] =	ssyncset.done $0x0  }
0x5d: {  	s26 =	rddreg [dreg:$0xa];
	[sflag:s11] =	ssyncadd.s32 $0xFFFFE980  }
0x5e: {  	[spmem:s26] =	stream.linear.scatter [tilespmem:s16], [sflag:$0x9], $0x1680, $0x38;
	[tilespmem:$0x1C7F0] =	vst v63  }
0x5f: {  	_ =	swait.ge [sflag:s11], $0x1680  }
0x60: {  	[sflag:s11] =	ssyncset.done $0x0  }
0x61: {  	s17 =	rddreg [dreg:$0xb];
	[sflag:s11] =	ssyncadd.s32 $0xFFFFE980  }
0x62: {  	[spmem:s17] =	stream.linear.scatter [tilespmem:s16], [sflag:$0x9], $0x1680, $0x38;
	[tilespmem:$0x1C7F0] =	vst v63  }
0x63: {  	_ =	swait.ge [sflag:s11], $0x1680  }
0x64: {  	[sflag:s11] =	ssyncset.done $0x0  }
0x65: {  	s19 =	rddreg [dreg:$0xc];
	[sflag:s11] =	ssyncadd.s32 $0xFFFFE980  }
0x66: {  	[spmem:s19] =	stream.linear.scatter [tilespmem:s16], [sflag:$0x9], $0x1680, $0x38;
	[tilespmem:$0x1C7F0] =	vst v63  }
0x67: {  	_ =	swait.ge [sflag:s11], $0x1680  }
0x68: {  	[sflag:s11] =	ssyncset.done $0x0  }
0x69: {  	s25 =	rddreg [dreg:$0xd];
	[sflag:s11] =	ssyncadd.s32 $0xFFFFE980  }
0x6a: {  	[spmem:s25] =	stream.linear.scatter [tilespmem:s16], [sflag:$0x9], $0x1680, $0x38;
	[tilespmem:$0x1C7F0] =	vst v63  }
0x6b: {  	_ =	swait.ge [sflag:s11], $0x1680  }
0x6c: {  	[sflag:s11] =	ssyncset.done $0x0  }
0x6d: {  	s26 =	rddreg [dreg:$0xe];
	[sflag:s11] =	ssyncadd.s32 $0xFFFFE980  }
0x6e: {  	[spmem:s26] =	stream.linear.scatter [tilespmem:s16], [sflag:$0x9], $0x1680, $0x38;
	[tilespmem:$0x1C7F0] =	vst v63  }
0x6f: {  	_ =	swait.ge [sflag:s11], $0x1680  }
0x70: {  	[sflag:s11] =	ssyncset.done $0x0  }
0x71: {  	s17 =	rddreg [dreg:$0xf];
	[sflag:s11] =	ssyncadd.s32 $0xFFFFE980  }
0x72: {  	[spmem:s17] =	stream.linear.scatter [tilespmem:s16], [sflag:$0x9], $0x1680, $0x38;
	[tilespmem:$0x1C7F0] =	vst v63  }
0x73: {  	_ =	swait.ge [sflag:s11], $0x1680  }
0x74: {  	[sflag:s11] =	ssyncset.done $0x0  }
0x75: {  	s19 =	rddreg [dreg:$0x10];
	[sflag:s11] =	ssyncadd.s32 $0xFFFFE980  }
0x76: {  	[spmem:s19] =	stream.linear.scatter [tilespmem:s16], [sflag:$0x9], $0x1680, $0x38;
	[tilespmem:$0x1C7F0] =	vst v63  }
0x77: {  	_ =	swait.ge [sflag:s11], $0x1680  }
0x78: {  	[sflag:s11] =	ssyncset.done $0x0  }
0x79: {  	s25 =	rddreg [dreg:$0x11];
	[sflag:s11] =	ssyncadd.s32 $0xFFFFE980  }
0x7a: {  	[spmem:s25] =	stream.linear.scatter [tilespmem:s16], [sflag:$0x9], $0x1680, $0x38;
	[tilespmem:$0x1C7F0] =	vst v63  }
0x7b: {  	_ =	swait.ge [sflag:s11], $0x1680  }
0x7c: {  	[sflag:s11] =	ssyncset.done $0x0  }
0x7d: {  	s26 =	rddreg [dreg:$0x12];
	[sflag:s11] =	ssyncadd.s32 $0xFFFFE980  }
0x7e: {  	[spmem:s26] =	stream.linear.scatter [tilespmem:s16], [sflag:$0x9], $0x1680, $0x38;
	[tilespmem:$0x1C7F0] =	vst v63  }
0x7f: {  	_ =	swait.ge [sflag:s11], $0x1680  }
0x80: {  	[sflag:s11] =	ssyncset.done $0x0  }
0x81: {  	s17 =	rddreg [dreg:$0x13];
	[sflag:s11] =	ssyncadd.s32 $0xFFFFE980  }
0x82: {  	[spmem:s17] =	stream.linear.scatter [tilespmem:s16], [sflag:$0x9], $0x1680, $0x38;
	[tilespmem:$0x1C7F0] =	vst v63  }
0x83: {  	_ =	swait.ge [sflag:s11], $0x1680  }
0x84: {  	[sflag:s11] =	ssyncset.done $0x0  }
0x85: {  	[sflag:s11] =	ssyncadd.s32 $0xFFFFE980  }
0x86: {  	[bflag:$0x0] =	sbarrier.arrive $0xFFFF  }
0x87: {  	s16 =	simm.s32 $0x0;
	s19 =	rddreg [dreg:$0x14]  }
0x88: {  	[tilespmem:s12], [sflag:$0x1] =	stream.linear.gather [hbm4b:s19+s16], $0x28, $0x38;
	[tilespmem:$0x1C7F0] =	vst v63  }
0x89: {  	s25 =	rddreg [dreg:$0x15]  }
0x8a: {  	[tilespmem:s13], [sflag:$0x1] =	stream.linear.gather [hbm4b:s25+s16], $0x28, $0x38;
	[tilespmem:$0x1C7F0] =	vst v63  }
0x8b: {  	_ =	swait.ge [sflag:s14], $0x28  }
0x8c: {  	[sflag:s14] =	ssyncset.done $0x0  }
0x8d: {  	[sflag:s14] =	ssyncadd.s32 $0xFFFFFFD8  }
0x8e: {  	_ =	swait.ge [sflag:s14], $0x28  }
0x8f: {  	[sflag:s14] =	ssyncset.done $0x0  }
0x90: {  	s26 =	simm.s32 $0x172F0;
	[sflag:s14] =	ssyncadd.s32 $0xFFFFFFD8  }
0x91: {  	[tilespmem:s26], [sflag:$0x3] =	stream.indirect.gather [hbm4b:s2+s15], $0x80, s12, s15, $0xb8;
	[tilespmem:$0x1C7F0] =	vst v63  }
0x92: {  	s17 =	simm.s32 $0x168F0  }
0x93: {  	[tilespmem:s17], [sflag:$0x3] =	stream.indirect.gather [hbm4b:s7+s15], $0x10, s12, s15, $0xb8;
	[tilespmem:$0x1C7F0] =	vst v63  }
0x94: {  	s19 =	simm.s32 $0x16DF0  }
0x95: {  	[tilespmem:s19], [sflag:$0x3] =	stream.indirect.gather [hbm4b:s7+s15], $0x10, s13, s15, $0xb8;
	[tilespmem:$0x1C7F0] =	vst v63  }
0x96: {  	s25 =	rddreg [dreg:$0x16]  }
0x97: {  	[tilespmem:s20], [sflag:$0x2] =	stream.linear.gather [hbm4b:s25+s16], $0x28, $0x38;
	[tilespmem:$0x1C7F0] =	vst v63  }
0x98: {  	s28 =	simm.s32 $0x0;
	s26 =	rddreg [dreg:$0x17]  }
0x99: {  	[tilespmem:s21], [sflag:$0x2] =	stream.linear.gather [hbm4b:s26+s16], $0x28, $0x38;
	[tilespmem:$0x1C7F0] =	vst v63  }
.LBB2_4:
0x9a: {  	_ =	swait.ge [sflag:s22], $0x1400  }
0x9b: {  	[sflag:s22] =	ssyncset.done $0x0  }
0x9c: {  	[sflag:s22] =	ssyncadd.s32 $0xFFFFEC00  }
0x9d: {  	_ =	swait.ge [sflag:s22], $0x280  }
0x9e: {  	[sflag:s22] =	ssyncset.done $0x0  }
0x9f: {  	[sflag:s22] =	ssyncadd.s32 $0xFFFFFD80  }
0xa0: {  	_ =	swait.ge [sflag:s22], $0x280  }
0xa1: {  	[sflag:s22] =	ssyncset.done $0x0  }
0xa2: {  	[sflag:s22] =	ssyncadd.s32 $0xFFFFFD80  }
0xa3: {  	_ =	swait.ge [sflag:s23], $0x28  }
0xa4: {  	[sflag:s23] =	ssyncset.done $0x0  }
0xa5: {  	[sflag:s23] =	ssyncadd.s32 $0xFFFFFFD8  }
0xa6: {  	_ =	swait.ge [sflag:s23], $0x28  }
0xa7: {  	[sflag:s23] =	ssyncset.done $0x0  }
0xa8: {  	s10 =	simm.s32 $0x186F0;
	[sflag:s23] =	ssyncadd.s32 $0xFFFFFFD8  }
0xa9: {  	[tilespmem:s10], [sflag:$0x4] =	stream.indirect.gather [hbm4b:s2+s15], $0x80, s20, s15, $0xb8;
	[tilespmem:$0x1C7F0] =	vst v63  }
0xaa: {  	s26 =	simm.s32 $0x16B70;
	p0 =	seq.s32 s28, $0x0  }
0xab: {  	[tilespmem:s26], [sflag:$0x4] =	stream.indirect.gather [hbm4b:s7+s15], $0x10, s20, s15, $0xb8;
	[tilespmem:$0x1C7F0] =	vst v63  }
0xac: {  	s16 =	simm.s32 $0x17070;
	s25 =	smul.u32 $0x50, s28;
	s10 =	simm.s32 @!p0 $0x5  }
0xad: {  	[tilespmem:s16], [sflag:$0x4] =	stream.indirect.gather [hbm4b:s7+s15], $0x10, s21, s15, $0xb8;
	[tilespmem:$0x1C7F0] =	vst v63  }
0xae: {  	s16 =	sadd.s32 s18, s25;
	_ =	swait.ge @!p0 [sflag:s10], $0x1680  }
0xaf: {  	s19 =	simm.s32 $0x0;
	s16 =	sshrl.u32 s16, $0x3;
	[sflag:s10] =	ssyncset.done @!p0 $0x0  }
0xb0: {  	s26 =	simm.s32 $0x0;
	s17 =	sadd.s32 s6, s16;
	[sflag:s10] =	ssyncadd.s32 @!p0 $0xFFFFE980  }
0xb1: {  	[tilespmem:s29], [sflag:$0x7] =	stream.linear.gather [hbm4b:s17+s19], $0x28, $0x38;
	[tilespmem:$0x1C7F0] =	vst v63  }
0xb2: {  	v10 =	vld [tilespmem:s26+$0x16DF0];
	_ =	sdelay $0x1  }
0xb3: {  	v11 =	vld [tilespmem:s26+$0x168F0];
	_ =	sdelay $0x2  }
0xb4: {  	v10 =	vperm.xlane v10, v1;
	_ =	sdelay $0x1  }
0xb5: {  	v10 =	vadd.f32 v10, v11;
	_ =	sdelay $0x1  }
0xb6: {  	v11 =	vmul.f32 $2.000000030e-01, v10  }
0xb7: {  	vm1 =	vge.f32 v10, $0.0e+00  }
0xb8: {  	v10 =	vsel vm1, v10, v11  }
0xb9: {  	v10 =	vmul.f32 $1.442695020e+00, v10;
	_ =	sdelay $0x1  }
0xba: {  	(erf) = vpow2.f32 v10;
	_ =	sdelay $0x8  }
0xbb: {  	v10 =	vpop (erf)  }
0xbc: {  	s17 =	simm.s32 $0x19B30;
	v11 =	vnsel vm0, $0x0, v10  }
0xbd: {  	s19 =	simm.s32 $0x17330;
	[tilespmem:s17+$0x40] =	vst v11  }
0xbe: {  	v11 =	vld [tilespmem:s19+$0xFFFFFFC0];
	_ =	sdelay $0x2  }
0xbf: {  	v12 =	vperm.xlane v10, v2;
	_ =	sdelay $0x1  }
0xc0: {  	v11 =	vmul.f32 v11, v12;
	_ =	sdelay $0x1  }
0xc1: {  	[tilespmem:s17+$0xFFFFFFC0] =	vst v11  }
0xc2: {  	v11 =	vld [tilespmem:s19+$0xFFFFFFD0];
	_ =	sdelay $0x2  }
0xc3: {  	v58 =	vperm.xlane v10, v3;
	_ =	sdelay $0x1  }
0xc4: {  	v11 =	vmul.f32 v11, v58;
	_ =	sdelay $0x1  }
0xc5: {  	[tilespmem:s17+$0xFFFFFFD0] =	vst v11  }
0xc6: {  	v11 =	vld [tilespmem:s19+$0xFFFFFFE0];
	_ =	sdelay $0x2  }
0xc7: {  	v59 =	vperm.xlane v10, v4;
	_ =	sdelay $0x1  }
0xc8: {  	v11 =	vmul.f32 v11, v59;
	_ =	sdelay $0x1  }
0xc9: {  	[tilespmem:s17+$0xFFFFFFE0] =	vst v11  }
0xca: {  	v11 =	vld [tilespmem:s19+$0xFFFFFFF0];
	_ =	sdelay $0x2  }
0xcb: {  	v60 =	vperm.xlane v10, v5;
	_ =	sdelay $0x1  }
0xcc: {  	v11 =	vmul.f32 v11, v60;
	_ =	sdelay $0x1  }
0xcd: {  	[tilespmem:s17+$0xFFFFFFF0] =	vst v11  }
0xce: {  	v11 =	vld [tilespmem:s19+$0x0];
	_ =	sdelay $0x2  }
0xcf: {  	v61 =	vperm.xlane v10, v6;
	_ =	sdelay $0x1  }
0xd0: {  	v11 =	vmul.f32 v11, v61;
	_ =	sdelay $0x1  }
0xd1: {  	[tilespmem:s17+$0x0] =	vst v11  }
0xd2: {  	v11 =	vld [tilespmem:s19+$0x10];
	_ =	sdelay $0x2  }
0xd3: {  	v62 =	vperm.xlane v10, v7;
	_ =	sdelay $0x1  }
0xd4: {  	v11 =	vmul.f32 v11, v62;
	_ =	sdelay $0x1  }
0xd5: {  	[tilespmem:s17+$0x10] =	vst v11  }
0xd6: {  	v11 =	vld [tilespmem:s19+$0x20];
	_ =	sdelay $0x2  }
0xd7: {  	v63 =	vperm.xlane v10, v8;
	_ =	sdelay $0x1  }
0xd8: {  	v11 =	vmul.f32 v11, v63;
	_ =	sdelay $0x1  }
0xd9: {  	[tilespmem:s17+$0x20] =	vst v11  }
0xda: {  	v11 =	vld [tilespmem:s19+$0x30];
	_ =	sdelay $0x2  }
0xdb: {  	v10 =	vperm.xlane v10, v9;
	_ =	sdelay $0x1  }
0xdc: {  	v10 =	vmul.f32 v11, v10;
	_ =	sdelay $0x1  }
0xdd: {  	s16 =	sshll.u32 s28, $0x1;
	s10 =	simm.s32 $0x80;
	s26 =	simm.s32 $0x10;
	[tilespmem:s17+$0x30] =	vst v10  }
.LBB2_5:
0xde: {  	p1 =	sne.s32 s10, $0x9C0;
	v10 =	vld [tilespmem:s26+$0x16DF0]  }
0xdf: {  	v11 =	vld [tilespmem:s26+$0x168F0];
	_ =	sdelay $0x3  }
0xe0: {  	v10 =	vperm.xlane v10, v1;
	_ =	sdelay $0x1  }
0xe1: {  	v10 =	vadd.f32 v10, v11;
	_ =	sdelay $0x1  }
0xe2: {  	v11 =	vmul.f32 $2.000000030e-01, v10  }
0xe3: {  	vm1 =	vge.f32 v10, $0.0e+00  }
0xe4: {  	v10 =	vsel vm1, v10, v11  }
0xe5: {  	v10 =	vmul.f32 $1.442695020e+00, v10;
	_ =	sdelay $0x1  }
0xe6: {  	(erf) = vpow2.f32 v10;
	_ =	sdelay $0x8  }
0xe7: {  	v10 =	vpop (erf)  }
0xe8: {  	s17 =	sadd.s32 $0x90, s17;
	v11 =	vnsel vm0, $0x0, v10;
	v12 =	vperm.xlane v10, v3;
	v13 =	vperm.xlane v10, v5  }
0xe9: {  	s19 =	sadd.s32 $0x80, s19;
	v14 =	vperm.xlane v10, v9;
	[tilespmem:s17+$0x40] =	vst v11;
	v11 =	vperm.xlane v10, v7  }
0xea: {  	v15 =	vld [tilespmem:s19+$0xFFFFFFC0];
	_ =	sdelay $0x2  }
0xeb: {  	v16 =	vperm.xlane v10, v2;
	_ =	sdelay $0x1  }
0xec: {  	v15 =	vmul.f32 v15, v16;
	_ =	sdelay $0x1  }
0xed: {  	[tilespmem:s17+$0xFFFFFFC0] =	vst v15  }
0xee: {  	v15 =	vld [tilespmem:s19+$0xFFFFFFD0];
	_ =	sdelay $0x4  }
0xef: {  	v12 =	vmul.f32 v15, v12;
	_ =	sdelay $0x1  }
0xf0: {  	[tilespmem:s17+$0xFFFFFFD0] =	vst v12  }
0xf1: {  	v12 =	vld [tilespmem:s19+$0xFFFFFFE0];
	_ =	sdelay $0x2  }
0xf2: {  	v15 =	vperm.xlane v10, v4;
	_ =	sdelay $0x1  }
0xf3: {  	v12 =	vmul.f32 v12, v15;
	_ =	sdelay $0x1  }
0xf4: {  	[tilespmem:s17+$0xFFFFFFE0] =	vst v12  }
0xf5: {  	v12 =	vld [tilespmem:s19+$0xFFFFFFF0];
	_ =	sdelay $0x4  }
0xf6: {  	v12 =	vmul.f32 v12, v13;
	_ =	sdelay $0x1  }
0xf7: {  	[tilespmem:s17+$0xFFFFFFF0] =	vst v12  }
0xf8: {  	v12 =	vld [tilespmem:s19+$0x0];
	_ =	sdelay $0x2  }
0xf9: {  	v13 =	vperm.xlane v10, v6;
	_ =	sdelay $0x1  }
0xfa: {  	v12 =	vmul.f32 v12, v13;
	_ =	sdelay $0x1  }
0xfb: {  	[tilespmem:s17+$0x0] =	vst v12  }
0xfc: {  	v12 =	vld [tilespmem:s19+$0x10];
	_ =	sdelay $0x4  }
0xfd: {  	v11 =	vmul.f32 v12, v11;
	_ =	sdelay $0x1  }
0xfe: {  	[tilespmem:s17+$0x10] =	vst v11  }
0xff: {  	v11 =	vld [tilespmem:s19+$0x20];
	_ =	sdelay $0x2  }
0x100: {  	v10 =	vperm.xlane v10, v8;
	_ =	sdelay $0x1  }
0x101: {  	v10 =	vmul.f32 v11, v10;
	_ =	sdelay $0x1  }
0x102: {  	[tilespmem:s17+$0x20] =	vst v10  }
0x103: {  	v10 =	vld [tilespmem:s19+$0x30];
	_ =	sdelay $0x2  }
.Ltmp1:
0x104: {  	(pc) =	sbr.rel @p1 .LBB2_5-.Ltmp1, $3  }
0x105: {  	_ = 	snop  }
0x106: {  	v10 =	vmul.f32 v10, v14;
	_ =	sdelay $0x1  }
0x107: {  	s26 =	sshra.s32 s10, $0x2;
	s10 =	sadd.s32 $0x40, s10;
	[tilespmem:s17+$0x30] =	vst v10  }
0x108: {  	v10 =	vld [tilespmem:s26+$0x16DF0];
	_ =	sdelay $0x1  }
0x109: {  	v11 =	vld [tilespmem:s26+$0x168F0];
	_ =	sdelay $0x2  }
0x10a: {  	v10 =	vperm.xlane v10, v1;
	_ =	sdelay $0x1  }
0x10b: {  	v10 =	vadd.f32 v10, v11;
	_ =	sdelay $0x1  }
0x10c: {  	v11 =	vmul.f32 $2.000000030e-01, v10  }
0x10d: {  	vm1 =	vge.f32 v10, $0.0e+00  }
0x10e: {  	v10 =	vsel vm1, v10, v11  }
0x10f: {  	v10 =	vmul.f32 $1.442695020e+00, v10;
	_ =	sdelay $0x1  }
0x110: {  	(erf) = vpow2.f32 v10;
	_ =	sdelay $0x8  }
0x111: {  	v10 =	vpop (erf)  }
0x112: {  	s10 =	sadd.s32 $0x90, s17;
	v11 =	vnsel vm0, $0x0, v10  }
0x113: {  	s26 =	sadd.s32 $0x80, s19;
	[tilespmem:s10+$0x40] =	vst v11  }
0x114: {  	v11 =	vld [tilespmem:s26+$0xFFFFFFC0];
	_ =	sdelay $0x2  }
0x115: {  	v12 =	vperm.xlane v10, v2;
	_ =	sdelay $0x1  }
0x116: {  	v11 =	vmul.f32 v11, v12;
	_ =	sdelay $0x1  }
0x117: {  	[tilespmem:s10+$0xFFFFFFC0] =	vst v11  }
0x118: {  	v11 =	vld [tilespmem:s26+$0xFFFFFFD0];
	_ =	sdelay $0x2  }
0x119: {  	v51 =	vperm.xlane v10, v3;
	_ =	sdelay $0x1  }
0x11a: {  	v11 =	vmul.f32 v11, v51;
	_ =	sdelay $0x1  }
0x11b: {  	[tilespmem:s10+$0xFFFFFFD0] =	vst v11  }
0x11c: {  	v11 =	vld [tilespmem:s26+$0xFFFFFFE0];
	_ =	sdelay $0x2  }
0x11d: {  	v52 =	vperm.xlane v10, v4;
	_ =	sdelay $0x1  }
0x11e: {  	v11 =	vmul.f32 v11, v52;
	_ =	sdelay $0x1  }
0x11f: {  	[tilespmem:s10+$0xFFFFFFE0] =	vst v11  }
0x120: {  	v11 =	vld [tilespmem:s26+$0xFFFFFFF0];
	_ =	sdelay $0x2  }
0x121: {  	v53 =	vperm.xlane v10, v5;
	_ =	sdelay $0x1  }
0x122: {  	v11 =	vmul.f32 v11, v53;
	_ =	sdelay $0x1  }
0x123: {  	[tilespmem:s10+$0xFFFFFFF0] =	vst v11  }
0x124: {  	v11 =	vld [tilespmem:s26+$0x0];
	_ =	sdelay $0x2  }
0x125: {  	v54 =	vperm.xlane v10, v6;
	_ =	sdelay $0x1  }
0x126: {  	v11 =	vmul.f32 v11, v54;
	_ =	sdelay $0x1  }
0x127: {  	[tilespmem:s10+$0x0] =	vst v11  }
0x128: {  	v11 =	vld [tilespmem:s26+$0x10];
	_ =	sdelay $0x2  }
0x129: {  	v55 =	vperm.xlane v10, v7;
	_ =	sdelay $0x1  }
0x12a: {  	v11 =	vmul.f32 v11, v55;
	_ =	sdelay $0x1  }
0x12b: {  	[tilespmem:s10+$0x10] =	vst v11  }
0x12c: {  	v11 =	vld [tilespmem:s26+$0x20];
	_ =	sdelay $0x2  }
0x12d: {  	v56 =	vperm.xlane v10, v8;
	_ =	sdelay $0x1  }
0x12e: {  	v11 =	vmul.f32 v11, v56;
	_ =	sdelay $0x1  }
0x12f: {  	[tilespmem:s10+$0x20] =	vst v11  }
0x130: {  	v11 =	vld [tilespmem:s26+$0x30];
	_ =	sdelay $0x2  }
0x131: {  	v10 =	vperm.xlane v10, v9;
	_ =	sdelay $0x1  }
0x132: {  	v10 =	vmul.f32 v11, v10  }
0x133: {  	s19 =	smin.u32 s16, $0xF7  }
0x134: {  	[tilespmem:s10+$0x30] =	vst v10;
	s10 =	smul.u32 $0x28, s19  }
0x135: {  	_ =	swait.ge [sflag:s30], $0x28  }
0x136: {  	[sflag:s30] =	ssyncset.done $0x0;
	s10 =	sadd.s32 s10, s1  }
0x137: {  	s26 =	simm.s32 $0x19AF0;
	[sflag:s30] =	ssyncadd.s32 $0xFFFFFFD8;
	s10 =	sshrl.u32 s10, $0x3  }
0x138: {  	[spmem:s3] =	stream.indirect.scatter.add.f32 [tilespmem:s26], [sflag:$0x5], $0x90, s29, s15, $0xb8;
	[tilespmem:$0x1C7F0] =	vst v63  }
0x139: {  	s19 =	sadd.s32 s5, s10  }
0x13a: {  	[tilespmem:s12], [sflag:$0x1] =	stream.linear.gather [hbm4b:s19+s4], $0x28, $0x38;
	[tilespmem:$0x1C7F0] =	vst v63  }
0x13b: {  	s10 =	sadd.s32 s6, s10  }
0x13c: {  	[tilespmem:s13], [sflag:$0x1] =	stream.linear.gather [hbm4b:s10+s4], $0x28, $0x38;
	[tilespmem:$0x1C7F0] =	vst v63  }
0x13d: {  	_ =	swait.ge [sflag:s31], $0x1400  }
0x13e: {  	[sflag:s31] =	ssyncset.done $0x0  }
0x13f: {  	[sflag:s31] =	ssyncadd.s32 $0xFFFFEC00  }
0x140: {  	_ =	swait.ge [sflag:s31], $0x280  }
0x141: {  	[sflag:s31] =	ssyncset.done $0x0  }
0x142: {  	[sflag:s31] =	ssyncadd.s32 $0xFFFFFD80  }
0x143: {  	_ =	swait.ge [sflag:s31], $0x280  }
0x144: {  	[sflag:s31] =	ssyncset.done $0x0  }
0x145: {  	[sflag:s31] =	ssyncadd.s32 $0xFFFFFD80  }
0x146: {  	_ =	swait.ge [sflag:s14], $0x28  }
0x147: {  	[sflag:s14] =	ssyncset.done $0x0  }
0x148: {  	[sflag:s14] =	ssyncadd.s32 $0xFFFFFFD8  }
0x149: {  	_ =	swait.ge [sflag:s14], $0x28  }
0x14a: {  	[sflag:s14] =	ssyncset.done $0x0  }
0x14b: {  	s26 =	simm.s32 $0x172F0;
	[sflag:s14] =	ssyncadd.s32 $0xFFFFFFD8  }
0x14c: {  	[tilespmem:s26], [sflag:$0x3] =	stream.indirect.gather [hbm4b:s2+s15], $0x80, s12, s15, $0xb8;
	[tilespmem:$0x1C7F0] =	vst v63  }
0x14d: {  	s17 =	simm.s32 $0x168F0  }
0x14e: {  	[tilespmem:s17], [sflag:$0x3] =	stream.indirect.gather [hbm4b:s7+s15], $0x10, s12, s15, $0xb8;
	[tilespmem:$0x1C7F0] =	vst v63  }
0x14f: {  	s19 =	simm.s32 $0x16DF0;
	s10 =	simm.s32 @!p0 $0x6  }
0x150: {  	[tilespmem:s19], [sflag:$0x3] =	stream.indirect.gather [hbm4b:s7+s15], $0x10, s13, s15, $0xb8;
	[tilespmem:$0x1C7F0] =	vst v63  }
0x151: {  	s26 =	sadd.s32 s24, s25;
	_ =	swait.ge @!p0 [sflag:s10], $0x1680  }
0x152: {  	s25 =	simm.s32 $0x0;
	s17 =	sshrl.u32 s26, $0x3;
	[sflag:s10] =	ssyncset.done @!p0 $0x0  }
0x153: {  	s26 =	simm.s32 $0x0;
	s19 =	sadd.s32 s6, s17;
	[sflag:s10] =	ssyncadd.s32 @!p0 $0xFFFFE980  }
0x154: {  	[tilespmem:s0], [sflag:$0x8] =	stream.linear.gather [hbm4b:s19+s25], $0x28, $0x38;
	[tilespmem:$0x1C7F0] =	vst v63  }
0x155: {  	v10 =	vld [tilespmem:s26+$0x17070];
	_ =	sdelay $0x1  }
0x156: {  	v11 =	vld [tilespmem:s26+$0x16B70];
	_ =	sdelay $0x2  }
0x157: {  	v10 =	vperm.xlane v10, v1;
	_ =	sdelay $0x1  }
0x158: {  	v10 =	vadd.f32 v10, v11;
	_ =	sdelay $0x1  }
0x159: {  	v11 =	vmul.f32 $2.000000030e-01, v10  }
0x15a: {  	vm1 =	vge.f32 v10, $0.0e+00  }
0x15b: {  	v10 =	vsel vm1, v10, v11  }
0x15c: {  	v10 =	vmul.f32 $1.442695020e+00, v10;
	_ =	sdelay $0x1  }
0x15d: {  	(erf) = vpow2.f32 v10;
	_ =	sdelay $0x8  }
0x15e: {  	v10 =	vpop (erf)  }
0x15f: {  	s17 =	simm.s32 $0x1B1B0;
	v11 =	vnsel vm0, $0x0, v10  }
0x160: {  	s19 =	simm.s32 $0x18730;
	[tilespmem:s17+$0x40] =	vst v11  }
0x161: {  	v11 =	vld [tilespmem:s19+$0xFFFFFFC0];
	_ =	sdelay $0x2  }
0x162: {  	v57 =	vperm.xlane v10, v2;
	_ =	sdelay $0x1  }
0x163: {  	v11 =	vmul.f32 v11, v57;
	_ =	sdelay $0x1  }
0x164: {  	[tilespmem:s17+$0xFFFFFFC0] =	vst v11  }
0x165: {  	v11 =	vld [tilespmem:s19+$0xFFFFFFD0];
	_ =	sdelay $0x2  }
0x166: {  	v58 =	vperm.xlane v10, v3;
	_ =	sdelay $0x1  }
0x167: {  	v11 =	vmul.f32 v11, v58;
	_ =	sdelay $0x1  }
0x168: {  	[tilespmem:s17+$0xFFFFFFD0] =	vst v11  }
0x169: {  	v11 =	vld [tilespmem:s19+$0xFFFFFFE0];
	_ =	sdelay $0x2  }
0x16a: {  	v59 =	vperm.xlane v10, v4;
	_ =	sdelay $0x1  }
0x16b: {  	v11 =	vmul.f32 v11, v59;
	_ =	sdelay $0x1  }
0x16c: {  	[tilespmem:s17+$0xFFFFFFE0] =	vst v11  }
0x16d: {  	v11 =	vld [tilespmem:s19+$0xFFFFFFF0];
	_ =	sdelay $0x2  }
0x16e: {  	v60 =	vperm.xlane v10, v5;
	_ =	sdelay $0x1  }
0x16f: {  	v11 =	vmul.f32 v11, v60;
	_ =	sdelay $0x1  }
0x170: {  	[tilespmem:s17+$0xFFFFFFF0] =	vst v11  }
0x171: {  	v11 =	vld [tilespmem:s19+$0x0];
	_ =	sdelay $0x2  }
0x172: {  	v61 =	vperm.xlane v10, v6;
	_ =	sdelay $0x1  }
0x173: {  	v11 =	vmul.f32 v11, v61;
	_ =	sdelay $0x1  }
0x174: {  	[tilespmem:s17+$0x0] =	vst v11  }
0x175: {  	v11 =	vld [tilespmem:s19+$0x10];
	_ =	sdelay $0x2  }
0x176: {  	v62 =	vperm.xlane v10, v7;
	_ =	sdelay $0x1  }
0x177: {  	v11 =	vmul.f32 v11, v62;
	_ =	sdelay $0x1  }
0x178: {  	[tilespmem:s17+$0x10] =	vst v11  }
0x179: {  	v11 =	vld [tilespmem:s19+$0x20];
	_ =	sdelay $0x2  }
0x17a: {  	v63 =	vperm.xlane v10, v8;
	_ =	sdelay $0x1  }
0x17b: {  	v11 =	vmul.f32 v11, v63;
	_ =	sdelay $0x1  }
0x17c: {  	[tilespmem:s17+$0x20] =	vst v11  }
0x17d: {  	v11 =	vld [tilespmem:s19+$0x30];
	_ =	sdelay $0x2  }
0x17e: {  	v10 =	vperm.xlane v10, v9;
	_ =	sdelay $0x1  }
0x17f: {  	v10 =	vmul.f32 v11, v10;
	_ =	sdelay $0x1  }
0x180: {  	s10 =	simm.s32 $0x80;
	s25 =	simm.s32 $0x10;
	[tilespmem:s17+$0x30] =	vst v10  }
.LBB2_7:
0x181: {  	p0 =	sne.s32 s10, $0x9C0;
	v10 =	vld [tilespmem:s25+$0x17070]  }
0x182: {  	v11 =	vld [tilespmem:s25+$0x16B70];
	_ =	sdelay $0x3  }
0x183: {  	v10 =	vperm.xlane v10, v1;
	_ =	sdelay $0x1  }
0x184: {  	v10 =	vadd.f32 v10, v11;
	_ =	sdelay $0x1  }
0x185: {  	v11 =	vmul.f32 $2.000000030e-01, v10  }
0x186: {  	vm1 =	vge.f32 v10, $0.0e+00  }
0x187: {  	v10 =	vsel vm1, v10, v11  }
0x188: {  	v10 =	vmul.f32 $1.442695020e+00, v10;
	_ =	sdelay $0x1  }
0x189: {  	(erf) = vpow2.f32 v10;
	_ =	sdelay $0x8  }
0x18a: {  	v10 =	vpop (erf)  }
0x18b: {  	s17 =	sadd.s32 $0x90, s17;
	v11 =	vnsel vm0, $0x0, v10;
	v12 =	vperm.xlane v10, v3;
	v13 =	vperm.xlane v10, v5  }
0x18c: {  	s19 =	sadd.s32 $0x80, s19;
	v14 =	vperm.xlane v10, v9;
	[tilespmem:s17+$0x40] =	vst v11;
	v11 =	vperm.xlane v10, v7  }
0x18d: {  	v15 =	vld [tilespmem:s19+$0xFFFFFFC0];
	_ =	sdelay $0x2  }
0x18e: {  	v16 =	vperm.xlane v10, v2;
	_ =	sdelay $0x1  }
0x18f: {  	v15 =	vmul.f32 v15, v16;
	_ =	sdelay $0x1  }
0x190: {  	[tilespmem:s17+$0xFFFFFFC0] =	vst v15  }
0x191: {  	v15 =	vld [tilespmem:s19+$0xFFFFFFD0];
	_ =	sdelay $0x4  }
0x192: {  	v12 =	vmul.f32 v15, v12;
	_ =	sdelay $0x1  }
0x193: {  	[tilespmem:s17+$0xFFFFFFD0] =	vst v12  }
0x194: {  	v12 =	vld [tilespmem:s19+$0xFFFFFFE0];
	_ =	sdelay $0x2  }
0x195: {  	v15 =	vperm.xlane v10, v4;
	_ =	sdelay $0x1  }
0x196: {  	v12 =	vmul.f32 v12, v15;
	_ =	sdelay $0x1  }
0x197: {  	[tilespmem:s17+$0xFFFFFFE0] =	vst v12  }
0x198: {  	v12 =	vld [tilespmem:s19+$0xFFFFFFF0];
	_ =	sdelay $0x4  }
0x199: {  	v12 =	vmul.f32 v12, v13;
	_ =	sdelay $0x1  }
0x19a: {  	[tilespmem:s17+$0xFFFFFFF0] =	vst v12  }
0x19b: {  	v12 =	vld [tilespmem:s19+$0x0];
	_ =	sdelay $0x2  }
0x19c: {  	v13 =	vperm.xlane v10, v6;
	_ =	sdelay $0x1  }
0x19d: {  	v12 =	vmul.f32 v12, v13;
	_ =	sdelay $0x1  }
0x19e: {  	[tilespmem:s17+$0x0] =	vst v12  }
0x19f: {  	v12 =	vld [tilespmem:s19+$0x10];
	_ =	sdelay $0x4  }
0x1a0: {  	v11 =	vmul.f32 v12, v11;
	_ =	sdelay $0x1  }
0x1a1: {  	[tilespmem:s17+$0x10] =	vst v11  }
0x1a2: {  	v11 =	vld [tilespmem:s19+$0x20];
	_ =	sdelay $0x2  }
0x1a3: {  	v10 =	vperm.xlane v10, v8;
	_ =	sdelay $0x1  }
0x1a4: {  	v10 =	vmul.f32 v11, v10;
	_ =	sdelay $0x1  }
0x1a5: {  	[tilespmem:s17+$0x20] =	vst v10  }
0x1a6: {  	v10 =	vld [tilespmem:s19+$0x30];
	_ =	sdelay $0x2  }
.Ltmp2:
0x1a7: {  	(pc) =	sbr.rel @p0 .LBB2_7-.Ltmp2, $3  }
0x1a8: {  	_ = 	snop  }
0x1a9: {  	v10 =	vmul.f32 v10, v14;
	_ =	sdelay $0x1  }
0x1aa: {  	s25 =	sshra.s32 s10, $0x2;
	s10 =	sadd.s32 $0x40, s10;
	[tilespmem:s17+$0x30] =	vst v10  }
0x1ab: {  	v10 =	vld [tilespmem:s25+$0x17070];
	_ =	sdelay $0x1  }
0x1ac: {  	v11 =	vld [tilespmem:s25+$0x16B70];
	_ =	sdelay $0x2  }
0x1ad: {  	v10 =	vperm.xlane v10, v1;
	_ =	sdelay $0x1  }
0x1ae: {  	v10 =	vadd.f32 v10, v11;
	_ =	sdelay $0x1  }
0x1af: {  	v11 =	vmul.f32 $2.000000030e-01, v10  }
0x1b0: {  	vm1 =	vge.f32 v10, $0.0e+00  }
0x1b1: {  	v10 =	vsel vm1, v10, v11  }
0x1b2: {  	v10 =	vmul.f32 $1.442695020e+00, v10;
	_ =	sdelay $0x1  }
0x1b3: {  	(erf) = vpow2.f32 v10;
	_ =	sdelay $0x8  }
0x1b4: {  	v10 =	vpop (erf)  }
0x1b5: {  	s10 =	sadd.s32 $0x90, s17;
	v11 =	vnsel vm0, $0x0, v10  }
0x1b6: {  	s26 =	sadd.s32 $0x80, s19;
	[tilespmem:s10+$0x40] =	vst v11  }
0x1b7: {  	v11 =	vld [tilespmem:s26+$0xFFFFFFC0];
	_ =	sdelay $0x2  }
0x1b8: {  	v12 =	vperm.xlane v10, v2;
	_ =	sdelay $0x1  }
0x1b9: {  	v11 =	vmul.f32 v11, v12;
	_ =	sdelay $0x1  }
0x1ba: {  	[tilespmem:s10+$0xFFFFFFC0] =	vst v11  }
0x1bb: {  	v11 =	vld [tilespmem:s26+$0xFFFFFFD0];
	_ =	sdelay $0x2  }
0x1bc: {  	v58 =	vperm.xlane v10, v3;
	_ =	sdelay $0x1  }
0x1bd: {  	v11 =	vmul.f32 v11, v58;
	_ =	sdelay $0x1  }
0x1be: {  	[tilespmem:s10+$0xFFFFFFD0] =	vst v11  }
0x1bf: {  	v11 =	vld [tilespmem:s26+$0xFFFFFFE0];
	_ =	sdelay $0x2  }
0x1c0: {  	v59 =	vperm.xlane v10, v4;
	_ =	sdelay $0x1  }
0x1c1: {  	v11 =	vmul.f32 v11, v59;
	_ =	sdelay $0x1  }
0x1c2: {  	[tilespmem:s10+$0xFFFFFFE0] =	vst v11  }
0x1c3: {  	v11 =	vld [tilespmem:s26+$0xFFFFFFF0];
	_ =	sdelay $0x2  }
0x1c4: {  	v60 =	vperm.xlane v10, v5;
	_ =	sdelay $0x1  }
0x1c5: {  	v11 =	vmul.f32 v11, v60;
	_ =	sdelay $0x1  }
0x1c6: {  	[tilespmem:s10+$0xFFFFFFF0] =	vst v11  }
0x1c7: {  	v11 =	vld [tilespmem:s26+$0x0];
	_ =	sdelay $0x2  }
0x1c8: {  	v61 =	vperm.xlane v10, v6;
	_ =	sdelay $0x1  }
0x1c9: {  	v11 =	vmul.f32 v11, v61;
	_ =	sdelay $0x1  }
0x1ca: {  	[tilespmem:s10+$0x0] =	vst v11  }
0x1cb: {  	v11 =	vld [tilespmem:s26+$0x10];
	_ =	sdelay $0x2  }
0x1cc: {  	v62 =	vperm.xlane v10, v7;
	_ =	sdelay $0x1  }
0x1cd: {  	v11 =	vmul.f32 v11, v62;
	_ =	sdelay $0x1  }
0x1ce: {  	[tilespmem:s10+$0x10] =	vst v11  }
0x1cf: {  	v11 =	vld [tilespmem:s26+$0x20];
	_ =	sdelay $0x2  }
0x1d0: {  	v63 =	vperm.xlane v10, v8;
	_ =	sdelay $0x1  }
0x1d1: {  	v11 =	vmul.f32 v11, v63;
	_ =	sdelay $0x1  }
0x1d2: {  	[tilespmem:s10+$0x20] =	vst v11  }
0x1d3: {  	v11 =	vld [tilespmem:s26+$0x30];
	_ =	sdelay $0x2  }
0x1d4: {  	v10 =	vperm.xlane v10, v9;
	_ =	sdelay $0x1  }
0x1d5: {  	v10 =	vmul.f32 v11, v10;
	_ =	sdelay $0x1  }
0x1d6: {  	s19 =	smin.u32 s16, $0xF6;
	[tilespmem:s10+$0x30] =	vst v10  }
0x1d7: {  	s10 =	smul.u32 $0x28, s19;
	_ =	swait.ge [sflag:s8], $0x28  }
0x1d8: {  	s25 =	simm.s32 $0x1B170;
	s28 =	sadd.s32 $0x1, s28;
	[sflag:s8] =	ssyncset.done $0x0  }
0x1d9: {  	p0 =	sne.s32 s28, $0x7D;
	s10 =	sadd.s32 s10, s9;
	[sflag:s8] =	ssyncadd.s32 $0xFFFFFFD8  }
0x1da: {  	[spmem:s3] =	stream.indirect.scatter.add.f32 [tilespmem:s25], [sflag:$0x6], $0x90, s0, s15, $0xb8;
	[tilespmem:$0x1C7F0] =	vst v63  }
.Ltmp3:
0x1db: {  	s10 =	sshrl.u32 s10, $0x3;
	(pc) =	sbr.rel @p0 .LBB2_4-.Ltmp3, $4  }
0x1dc: {  	s26 =	sadd.s32 s5, s10  }
0x1dd: {  	[tilespmem:s20], [sflag:$0x2] =	stream.linear.gather [hbm4b:s26+s4], $0x28, $0x38;
	[tilespmem:$0x1C7F0] =	vst v63  }
0x1de: {  	s10 =	sadd.s32 s6, s10  }
0x1df: {  	[tilespmem:s21], [sflag:$0x2] =	stream.linear.gather [hbm4b:s10+s4], $0x28, $0x38;
	[tilespmem:$0x1C7F0] =	vst v63  }
0x1e0: {  	_ =	swait.ge [sflag:s22], $0x1400  }
0x1e1: {  	[sflag:s22] =	ssyncset.done $0x0  }
0x1e2: {  	[sflag:s22] =	ssyncadd.s32 $0xFFFFEC00  }
0x1e3: {  	_ =	swait.ge [sflag:s22], $0x280  }
0x1e4: {  	[sflag:s22] =	ssyncset.done $0x0  }
0x1e5: {  	[sflag:s22] =	ssyncadd.s32 $0xFFFFFD80  }
0x1e6: {  	_ =	swait.ge [sflag:s22], $0x280  }
0x1e7: {  	[sflag:s22] =	ssyncset.done $0x0  }
0x1e8: {  	[sflag:s22] =	ssyncadd.s32 $0xFFFFFD80  }
0x1e9: {  	_ =	swait.ge [sflag:s23], $0x28  }
0x1ea: {  	[sflag:s23] =	ssyncset.done $0x0  }
0x1eb: {  	[sflag:s23] =	ssyncadd.s32 $0xFFFFFFD8  }
0x1ec: {  	_ =	swait.ge [sflag:s23], $0x28  }
0x1ed: {  	[sflag:s23] =	ssyncset.done $0x0  }
0x1ee: {  	s10 =	simm.s32 $0x5;
	[sflag:s23] =	ssyncadd.s32 $0xFFFFFFD8  }
0x1ef: {  	_ =	swait.ge [sflag:s10], $0x1680  }
0x1f0: {  	[sflag:s10] =	ssyncset.done $0x0  }
0x1f1: {  	s19 =	simm.s32 $0x6;
	[sflag:s10] =	ssyncadd.s32 $0xFFFFE980  }
0x1f2: {  	_ =	swait.ge [sflag:s19], $0x1680  }
0x1f3: {  	[sflag:s19] =	ssyncset.done $0x0  }
0x1f4: {  	[sflag:s19] =	ssyncadd.s32 $0xFFFFE980  }
0x1f5: {  	s25 =	stileid.u32;
	[bflag:$0x0] =	sbarrier.arrive $0xFFFF  }
0x1f6: {  	s10 =	sshll.u32 s25, $0x6;
	s17 =	rddreg [dreg:$0x4]  }
0x1f7: {  	s10 =	sor.u32 $0x1C09, s10;
	s19 =	rddreg [dreg:$0x18];
	s16 =	sshrl.u32 s17, $0x3  }
0x1f8: {  	[hbm:s19], [sflag:s10] =	dma.local [spmem:s16], $0x2D00  }
0x1f9: {  	_ =	swait.ge [sflag:s11], $0x2D00  }
0x1fa: {  	s26 =	rddreg [dreg:$0x1a]  }
0x1fb: {  	s28 =	rddreg [dreg:$0x19];
	s16 =	sadd.s32 $0x1, s26  }
0x1fc: {  	p0 =	sne.s32 s16, s28  }
.Ltmp4:
0x1fd: {  	_ = 	snop;
	(pc) =	sbr.rel @p0 .LBB2_1-.Ltmp4, $3  }
0x1fe: {  	_ =	sdelay $0x1  }
0x1ff: {  	[sflag:s11] =	ssyncset.done $0x0  }
0x200: {  	[sflag:s11] =	ssyncadd.s32 $0xFFFFD300  }
0x201: {  	_ =	sfence.sel $0x180000  }
0x202: {  	[bflag:$0x0] =	sbarrier.arrive $0xFFFF  }
0x203: {  	_ =	strace $0x90000047  }
0x204: {  	s0 =	stileid.u32;
	[bflag:$0x2] =	sbarrier.arrive $0xFFFF  }
0x205: {  	p0 =	sne.s32 s0, $0x0;
	s0 =	rddreg [dreg:$0x3]  }
0x206: {  	s0 =	sadd.s32 @!p0 $0x100000, s0  }
0x207: {  	[sflag:s0] =	ssyncadd.tile.s32 @!p0 $0x1;
	_ =	shalt  }
.Lfunc_end2:
_tile_overlayer_lowered:
.L_overlay_start_2:
0x208: {  	(tag) =	ssettag $0x2  }
0x209: {  	s0 =	rddreg [dreg:$0x0];
	s2 =	stileid.u32  }
0x20a: {  	s1 =	rddreg [dreg:$0x1];
	p0 =	sne.s32 s2, $0x0  }
0x20b: {  	s3 =	rddreg [dreg:$0x2];
	[bflag:$0x3] =	sbarrier.arrive $0xFFFF;
	s2 =	simm.s32 @!p0 $0x1C09  }
0x20c: {  	[timem:s3], [sflag:s2] =	dma.local @!p0 [hbm:s0], s1  }
0x20d: {  	s0 =	simm.s32 @!p0 $0x9  }
0x20e: {  	_ =	swait.ge @!p0 [sflag:s0], s1  }
0x20f: {  	s1 =	ssub.s32 @!p0 $0x0, s1;
	[sflag:s0] =	ssyncset.done @!p0 $0x0  }
0x210: {  	[sflag:s0] =	ssyncadd.s32 @!p0 s1  }
0x211: {  	[bflag:$0x3] =	sbarrier.arrive $0xFFFF  }
0x212: {  	_ =	shalt  }

</sc_bundles>
